<compile_context>
chip_gen: v7x
topology: tpu7x:2x2x1
jax: 0.10.2.dev20260603
libtpu: 0.0.44.dev20260713+nightly
codegen_flags: <defaults>
</compile_context>

<pallas_src>
import functools
import jax
import jax.numpy as jnp
from jax import lax
from jax.experimental import pallas as pl
from jax.experimental.pallas import tpu as pltpu
from jax.experimental.pallas import tpu_sc as plsc

B = 16384
EMBED = 512
HIDDEN = 1024
CTX = 1024
D = EMBED + HIDDEN + CTX

NC = 2
NS = 16
NW = NC * NS
L = 16

B_SC = 2048
B_TC = B - B_SC
ROWS = B_SC // NW
R = 16
NCH = ROWS // R

BLK = 1024

_mesh = plsc.VectorSubcoreMesh(core_axis_name="c", subcore_axis_name="s")


@functools.partial(
    pl.kernel,
    mesh=_mesh,
    out_type=jax.ShapeDtypeStruct((B_SC,), jnp.float32),
    scratch_types=[
        pltpu.VMEM((D,), jnp.float32),
        pltpu.VMEM((L,), jnp.float32),
        pltpu.VMEM((2, R, D), jnp.float32),
        pltpu.VMEM((ROWS,), jnp.float32),
        pltpu.SemaphoreType.DMA,
        pltpu.SemaphoreType.DMA,
    ],
)
def _sc_gate(e_hbm, h_hbm, c_hbm, wx_hbm, wh_hbm, wc_hbm, b_hbm, out_hbm,
             w_v, b_v, x_v, out_v, sem0, sem1):
    wid = lax.axis_index("s") * NC + lax.axis_index("c")
    out_base = wid * ROWS
    base = B_TC + out_base

    pltpu.sync_copy(wx_hbm.at[0], w_v.at[pl.ds(0, EMBED)])
    pltpu.sync_copy(wh_hbm.at[0], w_v.at[pl.ds(EMBED, HIDDEN)])
    pltpu.sync_copy(wc_hbm.at[0], w_v.at[pl.ds(EMBED + HIDDEN, CTX)])
    pltpu.sync_copy(b_hbm, b_v.at[pl.ds(0, 1)])

    sems = (sem0, sem1)

    def start(g, slot):
        rb = base + g * R
        pltpu.async_copy(e_hbm.at[pl.ds(rb, R)],
                         x_v.at[slot, :, pl.ds(0, EMBED)], sems[slot])
        pltpu.async_copy(h_hbm.at[pl.ds(rb, R)],
                         x_v.at[slot, :, pl.ds(EMBED, HIDDEN)], sems[slot])
        pltpu.async_copy(c_hbm.at[pl.ds(rb, R)],
                         x_v.at[slot, :, pl.ds(EMBED + HIDDEN, CTX)], sems[slot])

    def wait(g, slot):
        rb = base + g * R
        pltpu.make_async_copy(e_hbm.at[pl.ds(rb, R)],
                              x_v.at[slot, :, pl.ds(0, EMBED)], sems[slot]).wait()
        pltpu.make_async_copy(h_hbm.at[pl.ds(rb, R)],
                              x_v.at[slot, :, pl.ds(EMBED, HIDDEN)], sems[slot]).wait()
        pltpu.make_async_copy(c_hbm.at[pl.ds(rb, R)],
                              x_v.at[slot, :, pl.ds(EMBED + HIDDEN, CTX)], sems[slot]).wait()

    def vgather(v, idx):
        dnums = lax.GatherDimensionNumbers(
            offset_dims=(), collapsed_slice_dims=(0,), start_index_map=(0,))
        return lax.gather(v, idx[:, None], dnums, (1,),
                          mode=lax.GatherScatterMode.PROMISE_IN_BOUNDS)

    lanes = lax.iota(jnp.int32, L)
    bfly = []
    for seg in (16, 8, 4, 2):
        idx = (lanes & (~(seg - 1) & (L - 1))) | ((lanes + seg // 2) & (seg - 1))
        keep = (lanes & (seg // 2)) == 0
        bfly.append((idx, keep))

    def lane_sums(vecs):
        for idx, keep in bfly:
            n = len(vecs) // 2
            vecs = [
                jnp.where(
                    keep,
                    vecs[i] + vgather(vecs[i], idx),
                    vecs[i + n] + vgather(vecs[i + n], idx),
                )
                for i in range(n)
            ]
        return vecs[0]

    def compute(g, slot):
        def body(j, accs):
            off = j * L
            w = w_v[pl.ds(off, L)]
            return tuple(accs[r] + x_v[slot, r, pl.ds(off, L)] * w
                         for r in range(R))

        accs = lax.fori_loop(
            0, D // L, body,
            tuple(jnp.zeros((L,), jnp.float32) for _ in range(R)))
        score = lane_sums(list(accs)) + b_v[pl.ds(0, L)][0]
        out_v[pl.ds(g * R, L)] = 1.0 / (1.0 + jnp.exp(-score))

    start(0, 0)

    def pair_body(i, _):
        for b in range(2):
            g = 2 * i + b
            wait(g, b)

            @pl.when(g + 1 < NCH)
            def _():
                start(g + 1, 1 - b)

            compute(g, b)
        return 0

    lax.fori_loop(0, NCH // 2, pair_body, 0)

    pltpu.sync_copy(out_v, out_hbm.at[pl.ds(out_base, ROWS)])


def _tc_body(e_ref, h_ref, c_ref, wx_ref, wh_ref, wc_ref, b_ref, o_ref):
    score = jnp.sum(e_ref[...] * wx_ref[...], axis=1)
    score += jnp.sum(h_ref[...] * wh_ref[...], axis=1)
    score += jnp.sum(c_ref[...] * wc_ref[...], axis=1)
    score += b_ref[0]
    o_ref[...] = jax.nn.sigmoid(score)


def _tc_gate(embed_t, h_t, context, W_x, W_h, W_ctx, b_ctx):
    return pl.pallas_call(
        _tc_body,
        grid=(B_TC // BLK,),
        in_specs=[
            pl.BlockSpec((BLK, EMBED), lambda i: (i, 0)),
            pl.BlockSpec((BLK, HIDDEN), lambda i: (i, 0)),
            pl.BlockSpec((BLK, CTX), lambda i: (i, 0)),
            pl.BlockSpec((1, EMBED), lambda i: (0, 0)),
            pl.BlockSpec((1, HIDDEN), lambda i: (0, 0)),
            pl.BlockSpec((1, CTX), lambda i: (0, 0)),
            pl.BlockSpec(memory_space=pltpu.SMEM),
        ],
        out_specs=pl.BlockSpec((BLK,), lambda i: (i,)),
        out_shape=jax.ShapeDtypeStruct((B_TC,), jnp.float32),
    )(embed_t, h_t, context, W_x, W_h, W_ctx, b_ctx)


@jax.jit
def kernel(embed_t, h_t, context, W_x, W_h, W_ctx, b_ctx):
    out_sc = _sc_gate(embed_t, h_t, context, W_x, W_h, W_ctx, b_ctx)
    out_tc = _tc_gate(embed_t, h_t, context, W_x, W_h, W_ctx, b_ctx)
    return jnp.concatenate([out_tc, out_sc])

# --- scband reference (transcript-rebuilt; emitter-appended) ---
"""Pipeline reference for scband-pointer-generator-head-26130581029014 (READ-ONLY COPY).

The authoritative reference and input builder live on the scoring server;
editing this copy changes nothing except your own understanding.
"""

import jax, jax.numpy as jnp
import numpy as np

B = 16384
EMBED = 512
HIDDEN = 1024
CTX = 1024

def setup_inputs(seed: int = 0) -> dict:
    key = jax.random.key(seed)
    k1, k2, k3, k4, k5, k6, k7 = jax.random.split(key, 7)
    embed_t = jax.random.normal(k1, (B, EMBED), dtype=jnp.float32)
    h_t = jax.random.normal(k2, (B, HIDDEN), dtype=jnp.float32)
    context = jax.random.normal(k3, (B, CTX), dtype=jnp.float32)
    # nn.Linear(in, 1) weights have shape (1, in)
    W_x = jax.random.normal(k4, (1, EMBED), dtype=jnp.float32) * (1.0 / np.sqrt(EMBED))
    W_h = jax.random.normal(k5, (1, HIDDEN), dtype=jnp.float32) * (1.0 / np.sqrt(HIDDEN))
    W_ctx = jax.random.normal(k6, (1, CTX), dtype=jnp.float32) * (1.0 / np.sqrt(CTX))
    b_ctx = jax.random.normal(k7, (1,), dtype=jnp.float32) * (1.0 / np.sqrt(CTX))
    return {"embed_t": embed_t, "h_t": h_t, "context": context,
            "W_x": W_x, "W_h": W_h, "W_ctx": W_ctx, "b_ctx": b_ctx}

def reference(embed_t, h_t, context, W_x, W_h, W_ctx, b_ctx):
    # score = W_x(embed_t) + W_h(h_t) + W_ctx(context)  -> (B, 1)
    score = embed_t @ W_x.T + h_t @ W_h.T + context @ W_ctx.T + b_ctx
    # p_gen = sigmoid(score.squeeze(-1)) -> (B,)
    return jax.nn.sigmoid(jnp.squeeze(score, -1))

if __name__ == "__main__":
    import jax
    _d = setup_inputs()
    print(jax.jit(kernel)(*tuple(_d.values())))

</pallas_src>

<mosaic_0001>
#map = affine_map<(d0, d1) -> (0, 0)>
#map1 = affine_map<(d0, d1) -> (0)>
module attributes {stable_mosaic.version = 14 : i64} {
  func.func @_sc_gate(%arg0: i32, %arg1: i32, %arg2: memref<16384x512xf32, #tpu.memory_space<hbm>>, %arg3: memref<16384x1024xf32, #tpu.memory_space<hbm>>, %arg4: memref<16384x1024xf32, #tpu.memory_space<hbm>>, %arg5: memref<1x512xf32, #tpu.memory_space<hbm>>, %arg6: memref<1x1024xf32, #tpu.memory_space<hbm>>, %arg7: memref<1x1024xf32, #tpu.memory_space<hbm>>, %arg8: memref<1xf32, #tpu.memory_space<hbm>>, %arg9: memref<2048xf32, #tpu.memory_space<hbm>>, %arg10: memref<2560xf32, #tpu.memory_space<vmem>>, %arg11: memref<16xf32, #tpu.memory_space<vmem>>, %arg12: memref<2x16x2560xf32, #tpu.memory_space<vmem>>, %arg13: memref<64xf32, #tpu.memory_space<vmem>>, %arg14: memref<!tpu.dma_semaphore, #tpu.memory_space<semaphore_mem>>, %arg15: memref<!tpu.dma_semaphore, #tpu.memory_space<semaphore_mem>>) attributes {dimension_semantics = [#tpu.dimension_semantics<core_parallel>, #tpu.dimension_semantics<subcore_parallel>], iteration_bounds = array<i64: 2, 16>, scalar_prefetch = 0 : i64, scratch_operands = 6 : i64, tpu.core_type = #tpu.core_type<sc_vector_subcore>, window_params = [{transform_indices = #map}, {transform_indices = #map}, {transform_indices = #map}, {transform_indices = #map}, {transform_indices = #map}, {transform_indices = #map}, {transform_indices = #map1}, {transform_indices = #map1}]} {
    %mul3A = arith.constant 2 : i32
    %mul3A_0 = arith.muli %arg1, %mul3A : i32
    %add3A = arith.addi %mul3A_0, %arg0 : i32
    %mul3A_1 = arith.constant 64 : i32
    %mul3A_2 = arith.muli %add3A, %mul3A_1 : i32
    %add3A_3 = arith.constant 14336 : i32
    %add3A_4 = arith.addi %add3A_3, %mul3A_2 : i32
    %run_scoped3A = arith.constant 0 : i32
    "tpu.region"() ({
      %run_scoped3A_114 = tpu.sem_alloc : memref<!tpu.dma_semaphore, #tpu.memory_space<semaphore_mem>>
      %dma_start3A_115 = arith.constant 0 : i32
      %dma_start3A_116 = tpu.memref_slice %arg10[%dma_start3A_115] : memref<2560xf32, #tpu.memory_space<vmem>> -> memref<512xf32, #tpu.memory_space<vmem>>
      %dma_start3A_117 = arith.constant 0 : i32
      %dma_start3A_118 = tpu.memref_slice %arg5[%run_scoped3A, %dma_start3A_117] : memref<1x512xf32, #tpu.memory_space<hbm>> -> memref<1x512xf32, #tpu.memory_space<hbm>>
      %dma_start3A_119 = tpu.memref_squeeze %dma_start3A_118 : memref<1x512xf32, #tpu.memory_space<hbm>> -> memref<512xf32, #tpu.memory_space<hbm>>
      %dma_start3A_120 = arith.constant 0 : i32
      %dma_start3A_121 = tpu.memref_slice %arg10[%dma_start3A_120] : memref<2560xf32, #tpu.memory_space<vmem>> -> memref<512xf32, #tpu.memory_space<vmem>>
      %dma_start3A_122 = arith.constant 0 : i32
      %dma_start3A_123 = tpu.memref_slice %arg5[%run_scoped3A, %dma_start3A_122] : memref<1x512xf32, #tpu.memory_space<hbm>> -> memref<1x512xf32, #tpu.memory_space<hbm>>
      %dma_start3A_124 = tpu.memref_squeeze %dma_start3A_123 : memref<1x512xf32, #tpu.memory_space<hbm>> -> memref<512xf32, #tpu.memory_space<hbm>>
      tpu.enqueue_dma source(%dma_start3A_124 : memref<512xf32, #tpu.memory_space<hbm>>) target(%dma_start3A_121 : memref<512xf32, #tpu.memory_space<vmem>>) target_semaphore(%run_scoped3A_114 : memref<!tpu.dma_semaphore, #tpu.memory_space<semaphore_mem>>)
      %dma_wait3A = arith.constant 0 : i32
      %dma_wait3A_125 = tpu.memref_slice %arg10[%dma_wait3A] : memref<2560xf32, #tpu.memory_space<vmem>> -> memref<512xf32, #tpu.memory_space<vmem>>
      %dma_wait3A_126 = arith.constant 0 : i32
      %dma_wait3A_127 = tpu.memref_slice %arg5[%run_scoped3A, %dma_wait3A_126] : memref<1x512xf32, #tpu.memory_space<hbm>> -> memref<1x512xf32, #tpu.memory_space<hbm>>
      %dma_wait3A_128 = tpu.memref_squeeze %dma_wait3A_127 : memref<1x512xf32, #tpu.memory_space<hbm>> -> memref<512xf32, #tpu.memory_space<hbm>>
      %dma_wait3A_129 = arith.constant 0 : i32
      %dma_wait3A_130 = tpu.memref_slice %arg10[%dma_wait3A_129] : memref<2560xf32, #tpu.memory_space<vmem>> -> memref<512xf32, #tpu.memory_space<vmem>>
      %dma_wait3A_131 = arith.constant 0 : i32
      %dma_wait3A_132 = tpu.memref_slice %arg5[%run_scoped3A, %dma_wait3A_131] : memref<1x512xf32, #tpu.memory_space<hbm>> -> memref<1x512xf32, #tpu.memory_space<hbm>>
      %dma_wait3A_133 = tpu.memref_squeeze %dma_wait3A_132 : memref<1x512xf32, #tpu.memory_space<hbm>> -> memref<512xf32, #tpu.memory_space<hbm>>
      tpu.wait_dma2 semaphore(%run_scoped3A_114 : memref<!tpu.dma_semaphore, #tpu.memory_space<semaphore_mem>>) src(%dma_wait3A_133 : memref<512xf32, #tpu.memory_space<hbm>>) dst(%dma_wait3A_130 : memref<512xf32, #tpu.memory_space<vmem>>)
      tpu.yield
    }) : () -> ()
    %run_scoped3A_5 = arith.constant 0 : i32
    "tpu.region"() ({
      %run_scoped3A_114 = tpu.sem_alloc : memref<!tpu.dma_semaphore, #tpu.memory_space<semaphore_mem>>
      %dma_start3A_115 = arith.constant 512 : i32
      %dma_start3A_116 = tpu.memref_slice %arg10[%dma_start3A_115] : memref<2560xf32, #tpu.memory_space<vmem>> -> memref<1024xf32, #tpu.memory_space<vmem>>
      %dma_start3A_117 = arith.constant 0 : i32
      %dma_start3A_118 = tpu.memref_slice %arg6[%run_scoped3A_5, %dma_start3A_117] : memref<1x1024xf32, #tpu.memory_space<hbm>> -> memref<1x1024xf32, #tpu.memory_space<hbm>>
      %dma_start3A_119 = tpu.memref_squeeze %dma_start3A_118 : memref<1x1024xf32, #tpu.memory_space<hbm>> -> memref<1024xf32, #tpu.memory_space<hbm>>
      %dma_start3A_120 = arith.constant 512 : i32
      %dma_start3A_121 = tpu.memref_slice %arg10[%dma_start3A_120] : memref<2560xf32, #tpu.memory_space<vmem>> -> memref<1024xf32, #tpu.memory_space<vmem>>
      %dma_start3A_122 = arith.constant 0 : i32
      %dma_start3A_123 = tpu.memref_slice %arg6[%run_scoped3A_5, %dma_start3A_122] : memref<1x1024xf32, #tpu.memory_space<hbm>> -> memref<1x1024xf32, #tpu.memory_space<hbm>>
      %dma_start3A_124 = tpu.memref_squeeze %dma_start3A_123 : memref<1x1024xf32, #tpu.memory_space<hbm>> -> memref<1024xf32, #tpu.memory_space<hbm>>
      tpu.enqueue_dma source(%dma_start3A_124 : memref<1024xf32, #tpu.memory_space<hbm>>) target(%dma_start3A_121 : memref<1024xf32, #tpu.memory_space<vmem>>) target_semaphore(%run_scoped3A_114 : memref<!tpu.dma_semaphore, #tpu.memory_space<semaphore_mem>>)
      %dma_wait3A = arith.constant 512 : i32
      %dma_wait3A_125 = tpu.memref_slice %arg10[%dma_wait3A] : memref<2560xf32, #tpu.memory_space<vmem>> -> memref<1024xf32, #tpu.memory_space<vmem>>
      %dma_wait3A_126 = arith.constant 0 : i32
      %dma_wait3A_127 = tpu.memref_slice %arg6[%run_scoped3A_5, %dma_wait3A_126] : memref<1x1024xf32, #tpu.memory_space<hbm>> -> memref<1x1024xf32, #tpu.memory_space<hbm>>
      %dma_wait3A_128 = tpu.memref_squeeze %dma_wait3A_127 : memref<1x1024xf32, #tpu.memory_space<hbm>> -> memref<1024xf32, #tpu.memory_space<hbm>>
      %dma_wait3A_129 = arith.constant 512 : i32
      %dma_wait3A_130 = tpu.memref_slice %arg10[%dma_wait3A_129] : memref<2560xf32, #tpu.memory_space<vmem>> -> memref<1024xf32, #tpu.memory_space<vmem>>
      %dma_wait3A_131 = arith.constant 0 : i32
      %dma_wait3A_132 = tpu.memref_slice %arg6[%run_scoped3A_5, %dma_wait3A_131] : memref<1x1024xf32, #tpu.memory_space<hbm>> -> memref<1x1024xf32, #tpu.memory_space<hbm>>
      %dma_wait3A_133 = tpu.memref_squeeze %dma_wait3A_132 : memref<1x1024xf32, #tpu.memory_space<hbm>> -> memref<1024xf32, #tpu.memory_space<hbm>>
      tpu.wait_dma2 semaphore(%run_scoped3A_114 : memref<!tpu.dma_semaphore, #tpu.memory_space<semaphore_mem>>) src(%dma_wait3A_133 : memref<1024xf32, #tpu.memory_space<hbm>>) dst(%dma_wait3A_130 : memref<1024xf32, #tpu.memory_space<vmem>>)
      tpu.yield
    }) : () -> ()
    %run_scoped3A_6 = arith.constant 0 : i32
    "tpu.region"() ({
      %run_scoped3A_114 = tpu.sem_alloc : memref<!tpu.dma_semaphore, #tpu.memory_space<semaphore_mem>>
      %dma_start3A_115 = arith.constant 1536 : i32
      %dma_start3A_116 = tpu.memref_slice %arg10[%dma_start3A_115] : memref<2560xf32, #tpu.memory_space<vmem>> -> memref<1024xf32, #tpu.memory_space<vmem>>
      %dma_start3A_117 = arith.constant 0 : i32
      %dma_start3A_118 = tpu.memref_slice %arg7[%run_scoped3A_6, %dma_start3A_117] : memref<1x1024xf32, #tpu.memory_space<hbm>> -> memref<1x1024xf32, #tpu.memory_space<hbm>>
      %dma_start3A_119 = tpu.memref_squeeze %dma_start3A_118 : memref<1x1024xf32, #tpu.memory_space<hbm>> -> memref<1024xf32, #tpu.memory_space<hbm>>
      %dma_start3A_120 = arith.constant 1536 : i32
      %dma_start3A_121 = tpu.memref_slice %arg10[%dma_start3A_120] : memref<2560xf32, #tpu.memory_space<vmem>> -> memref<1024xf32, #tpu.memory_space<vmem>>
      %dma_start3A_122 = arith.constant 0 : i32
      %dma_start3A_123 = tpu.memref_slice %arg7[%run_scoped3A_6, %dma_start3A_122] : memref<1x1024xf32, #tpu.memory_space<hbm>> -> memref<1x1024xf32, #tpu.memory_space<hbm>>
      %dma_start3A_124 = tpu.memref_squeeze %dma_start3A_123 : memref<1x1024xf32, #tpu.memory_space<hbm>> -> memref<1024xf32, #tpu.memory_space<hbm>>
      tpu.enqueue_dma source(%dma_start3A_124 : memref<1024xf32, #tpu.memory_space<hbm>>) target(%dma_start3A_121 : memref<1024xf32, #tpu.memory_space<vmem>>) target_semaphore(%run_scoped3A_114 : memref<!tpu.dma_semaphore, #tpu.memory_space<semaphore_mem>>)
      %dma_wait3A = arith.constant 1536 : i32
      %dma_wait3A_125 = tpu.memref_slice %arg10[%dma_wait3A] : memref<2560xf32, #tpu.memory_space<vmem>> -> memref<1024xf32, #tpu.memory_space<vmem>>
      %dma_wait3A_126 = arith.constant 0 : i32
      %dma_wait3A_127 = tpu.memref_slice %arg7[%run_scoped3A_6, %dma_wait3A_126] : memref<1x1024xf32, #tpu.memory_space<hbm>> -> memref<1x1024xf32, #tpu.memory_space<hbm>>
      %dma_wait3A_128 = tpu.memref_squeeze %dma_wait3A_127 : memref<1x1024xf32, #tpu.memory_space<hbm>> -> memref<1024xf32, #tpu.memory_space<hbm>>
      %dma_wait3A_129 = arith.constant 1536 : i32
      %dma_wait3A_130 = tpu.memref_slice %arg10[%dma_wait3A_129] : memref<2560xf32, #tpu.memory_space<vmem>> -> memref<1024xf32, #tpu.memory_space<vmem>>
      %dma_wait3A_131 = arith.constant 0 : i32
      %dma_wait3A_132 = tpu.memref_slice %arg7[%run_scoped3A_6, %dma_wait3A_131] : memref<1x1024xf32, #tpu.memory_space<hbm>> -> memref<1x1024xf32, #tpu.memory_space<hbm>>
      %dma_wait3A_133 = tpu.memref_squeeze %dma_wait3A_132 : memref<1x1024xf32, #tpu.memory_space<hbm>> -> memref<1024xf32, #tpu.memory_space<hbm>>
      tpu.wait_dma2 semaphore(%run_scoped3A_114 : memref<!tpu.dma_semaphore, #tpu.memory_space<semaphore_mem>>) src(%dma_wait3A_133 : memref<1024xf32, #tpu.memory_space<hbm>>) dst(%dma_wait3A_130 : memref<1024xf32, #tpu.memory_space<vmem>>)
      tpu.yield
    }) : () -> ()
    "tpu.region"() ({
      %run_scoped3A_114 = tpu.sem_alloc : memref<!tpu.dma_semaphore, #tpu.memory_space<semaphore_mem>>
      %dma_start3A_115 = arith.constant 0 : i32
      %dma_start3A_116 = tpu.memref_slice %arg11[%dma_start3A_115] : memref<16xf32, #tpu.memory_space<vmem>> -> memref<1xf32, #tpu.memory_space<vmem>>
      %dma_start3A_117 = arith.constant 0 : i32
      %dma_start3A_118 = tpu.memref_slice %arg11[%dma_start3A_117] : memref<16xf32, #tpu.memory_space<vmem>> -> memref<1xf32, #tpu.memory_space<vmem>>
      tpu.enqueue_dma source(%arg8 : memref<1xf32, #tpu.memory_space<hbm>>) target(%dma_start3A_118 : memref<1xf32, #tpu.memory_space<vmem>>) target_semaphore(%run_scoped3A_114 : memref<!tpu.dma_semaphore, #tpu.memory_space<semaphore_mem>>)
      %dma_wait3A = arith.constant 0 : i32
      %dma_wait3A_119 = tpu.memref_slice %arg11[%dma_wait3A] : memref<16xf32, #tpu.memory_space<vmem>> -> memref<1xf32, #tpu.memory_space<vmem>>
      %dma_wait3A_120 = arith.constant 0 : i32
      %dma_wait3A_121 = tpu.memref_slice %arg11[%dma_wait3A_120] : memref<16xf32, #tpu.memory_space<vmem>> -> memref<1xf32, #tpu.memory_space<vmem>>
      tpu.wait_dma2 semaphore(%run_scoped3A_114 : memref<!tpu.dma_semaphore, #tpu.memory_space<semaphore_mem>>) src(%arg8 : memref<1xf32, #tpu.memory_space<hbm>>) dst(%dma_wait3A_121 : memref<1xf32, #tpu.memory_space<vmem>>)
      tpu.yield
    }) : () -> ()
    %iota3A = tpu.iota {dimensions = array<i32: 0>} : vector<16xi32>
    %and3A = arith.constant 0 : i32
    %and3A_7 = vector.broadcast %and3A : i32 to vector<16xi32>
    %and3A_8 = arith.andi %iota3A, %and3A_7 : vector<16xi32>
    %add3A_9 = arith.constant 8 : i32
    %add3A_10 = vector.broadcast %add3A_9 : i32 to vector<16xi32>
    %add3A_11 = arith.addi %iota3A, %add3A_10 : vector<16xi32>
    %and3A_12 = arith.constant 15 : i32
    %and3A_13 = vector.broadcast %and3A_12 : i32 to vector<16xi32>
    %and3A_14 = arith.andi %add3A_11, %and3A_13 : vector<16xi32>
    %or3A = arith.ori %and3A_8, %and3A_14 : vector<16xi32>
    %and3A_15 = arith.constant 8 : i32
    %and3A_16 = vector.broadcast %and3A_15 : i32 to vector<16xi32>
    %and3A_17 = arith.andi %iota3A, %and3A_16 : vector<16xi32>
    %eq3A = arith.constant 0 : i32
    %eq3A_18 = vector.broadcast %eq3A : i32 to vector<16xi32>
    %eq3A_19 = arith.cmpi eq, %and3A_17, %eq3A_18 : vector<16xi32>
    %and3A_20 = arith.constant 8 : i32
    %and3A_21 = vector.broadcast %and3A_20 : i32 to vector<16xi32>
    %and3A_22 = arith.andi %iota3A, %and3A_21 : vector<16xi32>
    %add3A_23 = arith.constant 4 : i32
    %add3A_24 = vector.broadcast %add3A_23 : i32 to vector<16xi32>
    %add3A_25 = arith.addi %iota3A, %add3A_24 : vector<16xi32>
    %and3A_26 = arith.constant 7 : i32
    %and3A_27 = vector.broadcast %and3A_26 : i32 to vector<16xi32>
    %and3A_28 = arith.andi %add3A_25, %and3A_27 : vector<16xi32>
    %or3A_29 = arith.ori %and3A_22, %and3A_28 : vector<16xi32>
    %and3A_30 = arith.constant 4 : i32
    %and3A_31 = vector.broadcast %and3A_30 : i32 to vector<16xi32>
    %and3A_32 = arith.andi %iota3A, %and3A_31 : vector<16xi32>
    %eq3A_33 = arith.constant 0 : i32
    %eq3A_34 = vector.broadcast %eq3A_33 : i32 to vector<16xi32>
    %eq3A_35 = arith.cmpi eq, %and3A_32, %eq3A_34 : vector<16xi32>
    %and3A_36 = arith.constant 12 : i32
    %and3A_37 = vector.broadcast %and3A_36 : i32 to vector<16xi32>
    %and3A_38 = arith.andi %iota3A, %and3A_37 : vector<16xi32>
    %add3A_39 = arith.constant 2 : i32
    %add3A_40 = vector.broadcast %add3A_39 : i32 to vector<16xi32>
    %add3A_41 = arith.addi %iota3A, %add3A_40 : vector<16xi32>
    %and3A_42 = arith.constant 3 : i32
    %and3A_43 = vector.broadcast %and3A_42 : i32 to vector<16xi32>
    %and3A_44 = arith.andi %add3A_41, %and3A_43 : vector<16xi32>
    %or3A_45 = arith.ori %and3A_38, %and3A_44 : vector<16xi32>
    %and3A_46 = arith.constant 2 : i32
    %and3A_47 = vector.broadcast %and3A_46 : i32 to vector<16xi32>
    %and3A_48 = arith.andi %iota3A, %and3A_47 : vector<16xi32>
    %eq3A_49 = arith.constant 0 : i32
    %eq3A_50 = vector.broadcast %eq3A_49 : i32 to vector<16xi32>
    %eq3A_51 = arith.cmpi eq, %and3A_48, %eq3A_50 : vector<16xi32>
    %and3A_52 = arith.constant 14 : i32
    %and3A_53 = vector.broadcast %and3A_52 : i32 to vector<16xi32>
    %and3A_54 = arith.andi %iota3A, %and3A_53 : vector<16xi32>
    %add3A_55 = arith.constant 1 : i32
    %add3A_56 = vector.broadcast %add3A_55 : i32 to vector<16xi32>
    %add3A_57 = arith.addi %iota3A, %add3A_56 : vector<16xi32>
    %and3A_58 = arith.constant 1 : i32
    %and3A_59 = vector.broadcast %and3A_58 : i32 to vector<16xi32>
    %and3A_60 = arith.andi %add3A_57, %and3A_59 : vector<16xi32>
    %or3A_61 = arith.ori %and3A_54, %and3A_60 : vector<16xi32>
    %and3A_62 = arith.constant 1 : i32
    %and3A_63 = vector.broadcast %and3A_62 : i32 to vector<16xi32>
    %and3A_64 = arith.andi %iota3A, %and3A_63 : vector<16xi32>
    %eq3A_65 = arith.constant 0 : i32
    %eq3A_66 = vector.broadcast %eq3A_65 : i32 to vector<16xi32>
    %eq3A_67 = arith.cmpi eq, %and3A_64, %eq3A_66 : vector<16xi32>
    %add3A_68 = arith.constant 0 : i32
    %add3A_69 = arith.addi %add3A_4, %add3A_68 : i32
    %dma_start3A = arith.constant 0 : i32
    %dma_start3A_70 = arith.constant 0 : i32
    %dma_start3A_71 = arith.constant 0 : i32
    %dma_start3A_72 = tpu.memref_slice %arg12[%dma_start3A, %dma_start3A_70, %dma_start3A_71] : memref<2x16x2560xf32, #tpu.memory_space<vmem>> -> memref<1x16x512xf32, #tpu.memory_space<vmem>>
    %dma_start3A_73 = tpu.memref_squeeze %dma_start3A_72 : memref<1x16x512xf32, #tpu.memory_space<vmem>> -> memref<16x512xf32, #tpu.memory_space<vmem>>
    %dma_start3A_74 = arith.constant 0 : i32
    %dma_start3A_75 = tpu.memref_slice %arg2[%add3A_69, %dma_start3A_74] : memref<16384x512xf32, #tpu.memory_space<hbm>> -> memref<16x512xf32, #tpu.memory_space<hbm>>
    %dma_start3A_76 = arith.constant 0 : i32
    %dma_start3A_77 = arith.constant 0 : i32
    %dma_start3A_78 = tpu.memref_slice %arg12[%dma_start3A, %dma_start3A_76, %dma_start3A_77] : memref<2x16x2560xf32, #tpu.memory_space<vmem>> -> memref<1x16x512xf32, #tpu.memory_space<vmem>>
    %dma_start3A_79 = tpu.memref_squeeze %dma_start3A_78 : memref<1x16x512xf32, #tpu.memory_space<vmem>> -> memref<16x512xf32, #tpu.memory_space<vmem>>
    %dma_start3A_80 = arith.constant 0 : i32
    %dma_start3A_81 = tpu.memref_slice %arg2[%add3A_69, %dma_start3A_80] : memref<16384x512xf32, #tpu.memory_space<hbm>> -> memref<16x512xf32, #tpu.memory_space<hbm>>
    tpu.enqueue_dma source(%dma_start3A_81 : memref<16x512xf32, #tpu.memory_space<hbm>>) target(%dma_start3A_79 : memref<16x512xf32, #tpu.memory_space<vmem>>) target_semaphore(%arg14 : memref<!tpu.dma_semaphore, #tpu.memory_space<semaphore_mem>>)
    %dma_start3A_82 = arith.constant 0 : i32
    %dma_start3A_83 = arith.constant 0 : i32
    %dma_start3A_84 = arith.constant 512 : i32
    %dma_start3A_85 = tpu.memref_slice %arg12[%dma_start3A_82, %dma_start3A_83, %dma_start3A_84] : memref<2x16x2560xf32, #tpu.memory_space<vmem>> -> memref<1x16x1024xf32, #tpu.memory_space<vmem>>
    %dma_start3A_86 = tpu.memref_squeeze %dma_start3A_85 : memref<1x16x1024xf32, #tpu.memory_space<vmem>> -> memref<16x1024xf32, #tpu.memory_space<vmem>>
    %dma_start3A_87 = arith.constant 0 : i32
    %dma_start3A_88 = tpu.memref_slice %arg3[%add3A_69, %dma_start3A_87] : memref<16384x1024xf32, #tpu.memory_space<hbm>> -> memref<16x1024xf32, #tpu.memory_space<hbm>>
    %dma_start3A_89 = arith.constant 0 : i32
    %dma_start3A_90 = arith.constant 512 : i32
    %dma_start3A_91 = tpu.memref_slice %arg12[%dma_start3A_82, %dma_start3A_89, %dma_start3A_90] : memref<2x16x2560xf32, #tpu.memory_space<vmem>> -> memref<1x16x1024xf32, #tpu.memory_space<vmem>>
    %dma_start3A_92 = tpu.memref_squeeze %dma_start3A_91 : memref<1x16x1024xf32, #tpu.memory_space<vmem>> -> memref<16x1024xf32, #tpu.memory_space<vmem>>
    %dma_start3A_93 = arith.constant 0 : i32
    %dma_start3A_94 = tpu.memref_slice %arg3[%add3A_69, %dma_start3A_93] : memref<16384x1024xf32, #tpu.memory_space<hbm>> -> memref<16x1024xf32, #tpu.memory_space<hbm>>
    tpu.enqueue_dma source(%dma_start3A_94 : memref<16x1024xf32, #tpu.memory_space<hbm>>) target(%dma_start3A_92 : memref<16x1024xf32, #tpu.memory_space<vmem>>) target_semaphore(%arg14 : memref<!tpu.dma_semaphore, #tpu.memory_space<semaphore_mem>>)
    %dma_start3A_95 = arith.constant 0 : i32
    %dma_start3A_96 = arith.constant 0 : i32
    %dma_start3A_97 = arith.constant 1536 : i32
    %dma_start3A_98 = tpu.memref_slice %arg12[%dma_start3A_95, %dma_start3A_96, %dma_start3A_97] : memref<2x16x2560xf32, #tpu.memory_space<vmem>> -> memref<1x16x1024xf32, #tpu.memory_space<vmem>>
    %dma_start3A_99 = tpu.memref_squeeze %dma_start3A_98 : memref<1x16x1024xf32, #tpu.memory_space<vmem>> -> memref<16x1024xf32, #tpu.memory_space<vmem>>
    %dma_start3A_100 = arith.constant 0 : i32
    %dma_start3A_101 = tpu.memref_slice %arg4[%add3A_69, %dma_start3A_100] : memref<16384x1024xf32, #tpu.memory_space<hbm>> -> memref<16x1024xf32, #tpu.memory_space<hbm>>
    %dma_start3A_102 = arith.constant 0 : i32
    %dma_start3A_103 = arith.constant 1536 : i32
    %dma_start3A_104 = tpu.memref_slice %arg12[%dma_start3A_95, %dma_start3A_102, %dma_start3A_103] : memref<2x16x2560xf32, #tpu.memory_space<vmem>> -> memref<1x16x1024xf32, #tpu.memory_space<vmem>>
    %dma_start3A_105 = tpu.memref_squeeze %dma_start3A_104 : memref<1x16x1024xf32, #tpu.memory_space<vmem>> -> memref<16x1024xf32, #tpu.memory_space<vmem>>
    %dma_start3A_106 = arith.constant 0 : i32
    %dma_start3A_107 = tpu.memref_slice %arg4[%add3A_69, %dma_start3A_106] : memref<16384x1024xf32, #tpu.memory_space<hbm>> -> memref<16x1024xf32, #tpu.memory_space<hbm>>
    tpu.enqueue_dma source(%dma_start3A_107 : memref<16x1024xf32, #tpu.memory_space<hbm>>) target(%dma_start3A_105 : memref<16x1024xf32, #tpu.memory_space<vmem>>) target_semaphore(%arg14 : memref<!tpu.dma_semaphore, #tpu.memory_space<semaphore_mem>>)
    %scan3A = arith.constant 0 : i32
    %scan3A_108 = arith.constant 0 : i32
    %scan3A_109 = arith.constant 2 : i32
    %scan3A_110 = arith.addi %scan3A_108, %scan3A_109 : i32
    %scan3A_111 = arith.constant 1 : i32
    %scan3A_112 = scf.for %scan3A_114 = %scan3A_108 to %scan3A_110 step %scan3A_111 iter_args(%scan3A_115 = %scan3A) -> (i32)  : i32 {
      %mul3A_116 = arith.constant 2 : i32
      %mul3A_117 = arith.muli %mul3A_116, %scan3A_114 : i32
      %add3A_118 = arith.constant 0 : i32
      %add3A_119 = arith.addi %mul3A_117, %add3A_118 : i32
      %mul3A_120 = arith.constant 16 : i32
      %mul3A_121 = arith.muli %add3A_119, %mul3A_120 : i32
      %add3A_122 = arith.addi %add3A_4, %mul3A_121 : i32
      %dma_wait3A = arith.constant 0 : i32
      %dma_wait3A_123 = arith.constant 0 : i32
      %dma_wait3A_124 = arith.constant 0 : i32
      %dma_wait3A_125 = tpu.memref_slice %arg12[%dma_wait3A, %dma_wait3A_123, %dma_wait3A_124] : memref<2x16x2560xf32, #tpu.memory_space<vmem>> -> memref<1x16x512xf32, #tpu.memory_space<vmem>>
      %dma_wait3A_126 = tpu.memref_squeeze %dma_wait3A_125 : memref<1x16x512xf32, #tpu.memory_space<vmem>> -> memref<16x512xf32, #tpu.memory_space<vmem>>
      %dma_wait3A_127 = arith.constant 0 : i32
      %dma_wait3A_128 = tpu.memref_slice %arg2[%add3A_122, %dma_wait3A_127] : memref<16384x512xf32, #tpu.memory_space<hbm>> -> memref<16x512xf32, #tpu.memory_space<hbm>>
      %dma_wait3A_129 = arith.constant 0 : i32
      %dma_wait3A_130 = arith.constant 0 : i32
      %dma_wait3A_131 = tpu.memref_slice %arg12[%dma_wait3A, %dma_wait3A_129, %dma_wait3A_130] : memref<2x16x2560xf32, #tpu.memory_space<vmem>> -> memref<1x16x512xf32, #tpu.memory_space<vmem>>
      %dma_wait3A_132 = tpu.memref_squeeze %dma_wait3A_131 : memref<1x16x512xf32, #tpu.memory_space<vmem>> -> memref<16x512xf32, #tpu.memory_space<vmem>>
      %dma_wait3A_133 = arith.constant 0 : i32
      %dma_wait3A_134 = tpu.memref_slice %arg2[%add3A_122, %dma_wait3A_133] : memref<16384x512xf32, #tpu.memory_space<hbm>> -> memref<16x512xf32, #tpu.memory_space<hbm>>
      tpu.wait_dma2 semaphore(%arg14 : memref<!tpu.dma_semaphore, #tpu.memory_space<semaphore_mem>>) src(%dma_wait3A_134 : memref<16x512xf32, #tpu.memory_space<hbm>>) dst(%dma_wait3A_132 : memref<16x512xf32, #tpu.memory_space<vmem>>)
      %dma_wait3A_135 = arith.constant 0 : i32
      %dma_wait3A_136 = arith.constant 0 : i32
      %dma_wait3A_137 = arith.constant 512 : i32
      %dma_wait3A_138 = tpu.memref_slice %arg12[%dma_wait3A_135, %dma_wait3A_136, %dma_wait3A_137] : memref<2x16x2560xf32, #tpu.memory_space<vmem>> -> memref<1x16x1024xf32, #tpu.memory_space<vmem>>
      %dma_wait3A_139 = tpu.memref_squeeze %dma_wait3A_138 : memref<1x16x1024xf32, #tpu.memory_space<vmem>> -> memref<16x1024xf32, #tpu.memory_space<vmem>>
      %dma_wait3A_140 = arith.constant 0 : i32
      %dma_wait3A_141 = tpu.memref_slice %arg3[%add3A_122, %dma_wait3A_140] : memref<16384x1024xf32, #tpu.memory_space<hbm>> -> memref<16x1024xf32, #tpu.memory_space<hbm>>
      %dma_wait3A_142 = arith.constant 0 : i32
      %dma_wait3A_143 = arith.constant 512 : i32
      %dma_wait3A_144 = tpu.memref_slice %arg12[%dma_wait3A_135, %dma_wait3A_142, %dma_wait3A_143] : memref<2x16x2560xf32, #tpu.memory_space<vmem>> -> memref<1x16x1024xf32, #tpu.memory_space<vmem>>
      %dma_wait3A_145 = tpu.memref_squeeze %dma_wait3A_144 : memref<1x16x1024xf32, #tpu.memory_space<vmem>> -> memref<16x1024xf32, #tpu.memory_space<vmem>>
      %dma_wait3A_146 = arith.constant 0 : i32
      %dma_wait3A_147 = tpu.memref_slice %arg3[%add3A_122, %dma_wait3A_146] : memref<16384x1024xf32, #tpu.memory_space<hbm>> -> memref<16x1024xf32, #tpu.memory_space<hbm>>
      tpu.wait_dma2 semaphore(%arg14 : memref<!tpu.dma_semaphore, #tpu.memory_space<semaphore_mem>>) src(%dma_wait3A_147 : memref<16x1024xf32, #tpu.memory_space<hbm>>) dst(%dma_wait3A_145 : memref<16x1024xf32, #tpu.memory_space<vmem>>)
      %dma_wait3A_148 = arith.constant 0 : i32
      %dma_wait3A_149 = arith.constant 0 : i32
      %dma_wait3A_150 = arith.constant 1536 : i32
      %dma_wait3A_151 = tpu.memref_slice %arg12[%dma_wait3A_148, %dma_wait3A_149, %dma_wait3A_150] : memref<2x16x2560xf32, #tpu.memory_space<vmem>> -> memref<1x16x1024xf32, #tpu.memory_space<vmem>>
      %dma_wait3A_152 = tpu.memref_squeeze %dma_wait3A_151 : memref<1x16x1024xf32, #tpu.memory_space<vmem>> -> memref<16x1024xf32, #tpu.memory_space<vmem>>
      %dma_wait3A_153 = arith.constant 0 : i32
      %dma_wait3A_154 = tpu.memref_slice %arg4[%add3A_122, %dma_wait3A_153] : memref<16384x1024xf32, #tpu.memory_space<hbm>> -> memref<16x1024xf32, #tpu.memory_space<hbm>>
      %dma_wait3A_155 = arith.constant 0 : i32
      %dma_wait3A_156 = arith.constant 1536 : i32
      %dma_wait3A_157 = tpu.memref_slice %arg12[%dma_wait3A_148, %dma_wait3A_155, %dma_wait3A_156] : memref<2x16x2560xf32, #tpu.memory_space<vmem>> -> memref<1x16x1024xf32, #tpu.memory_space<vmem>>
      %dma_wait3A_158 = tpu.memref_squeeze %dma_wait3A_157 : memref<1x16x1024xf32, #tpu.memory_space<vmem>> -> memref<16x1024xf32, #tpu.memory_space<vmem>>
      %dma_wait3A_159 = arith.constant 0 : i32
      %dma_wait3A_160 = tpu.memref_slice %arg4[%add3A_122, %dma_wait3A_159] : memref<16384x1024xf32, #tpu.memory_space<hbm>> -> memref<16x1024xf32, #tpu.memory_space<hbm>>
      tpu.wait_dma2 semaphore(%arg14 : memref<!tpu.dma_semaphore, #tpu.memory_space<semaphore_mem>>) src(%dma_wait3A_160 : memref<16x1024xf32, #tpu.memory_space<hbm>>) dst(%dma_wait3A_158 : memref<16x1024xf32, #tpu.memory_space<vmem>>)
      %add3A_161 = arith.constant 1 : i32
      %add3A_162 = arith.addi %add3A_119, %add3A_161 : i32
      %lt3A = arith.constant 4 : i32
      %lt3A_163 = arith.cmpi slt, %add3A_162, %lt3A : i32
      %convert_element_type3A = arith.extui %lt3A_163 : i1 to i32
      %cond3A = arith.constant 0 : i32
      %cond3A_164 = arith.cmpi ne, %convert_element_type3A, %cond3A : i32
      scf.if %cond3A_164 {
        %add3A_601 = arith.constant 1 : i32
        %add3A_602 = arith.addi %add3A_119, %add3A_601 : i32
        %mul3A_603 = arith.constant 16 : i32
        %mul3A_604 = arith.muli %add3A_602, %mul3A_603 : i32
        %add3A_605 = arith.addi %add3A_4, %mul3A_604 : i32
        %dma_start3A_606 = arith.constant 1 : i32
        %dma_start3A_607 = arith.constant 0 : i32
        %dma_start3A_608 = arith.constant 0 : i32
        %dma_start3A_609 = tpu.memref_slice %arg12[%dma_start3A_606, %dma_start3A_607, %dma_start3A_608] : memref<2x16x2560xf32, #tpu.memory_space<vmem>> -> memref<1x16x512xf32, #tpu.memory_space<vmem>>
        %dma_start3A_610 = tpu.memref_squeeze %dma_start3A_609 : memref<1x16x512xf32, #tpu.memory_space<vmem>> -> memref<16x512xf32, #tpu.memory_space<vmem>>
        %dma_start3A_611 = arith.constant 0 : i32
        %dma_start3A_612 = tpu.memref_slice %arg2[%add3A_605, %dma_start3A_611] : memref<16384x512xf32, #tpu.memory_space<hbm>> -> memref<16x512xf32, #tpu.memory_space<hbm>>
        %dma_start3A_613 = arith.constant 0 : i32
        %dma_start3A_614 = arith.constant 0 : i32
        %dma_start3A_615 = tpu.memref_slice %arg12[%dma_start3A_606, %dma_start3A_613, %dma_start3A_614] : memref<2x16x2560xf32, #tpu.memory_space<vmem>> -> memref<1x16x512xf32, #tpu.memory_space<vmem>>
        %dma_start3A_616 = tpu.memref_squeeze %dma_start3A_615 : memref<1x16x512xf32, #tpu.memory_space<vmem>> -> memref<16x512xf32, #tpu.memory_space<vmem>>
        %dma_start3A_617 = arith.constant 0 : i32
        %dma_start3A_618 = tpu.memref_slice %arg2[%add3A_605, %dma_start3A_617] : memref<16384x512xf32, #tpu.memory_space<hbm>> -> memref<16x512xf32, #tpu.memory_space<hbm>>
        tpu.enqueue_dma source(%dma_start3A_618 : memref<16x512xf32, #tpu.memory_space<hbm>>) target(%dma_start3A_616 : memref<16x512xf32, #tpu.memory_space<vmem>>) target_semaphore(%arg15 : memref<!tpu.dma_semaphore, #tpu.memory_space<semaphore_mem>>)
        %dma_start3A_619 = arith.constant 1 : i32
        %dma_start3A_620 = arith.constant 0 : i32
        %dma_start3A_621 = arith.constant 512 : i32
        %dma_start3A_622 = tpu.memref_slice %arg12[%dma_start3A_619, %dma_start3A_620, %dma_start3A_621] : memref<2x16x2560xf32, #tpu.memory_space<vmem>> -> memref<1x16x1024xf32, #tpu.memory_space<vmem>>
        %dma_start3A_623 = tpu.memref_squeeze %dma_start3A_622 : memref<1x16x1024xf32, #tpu.memory_space<vmem>> -> memref<16x1024xf32, #tpu.memory_space<vmem>>
        %dma_start3A_624 = arith.constant 0 : i32
        %dma_start3A_625 = tpu.memref_slice %arg3[%add3A_605, %dma_start3A_624] : memref<16384x1024xf32, #tpu.memory_space<hbm>> -> memref<16x1024xf32, #tpu.memory_space<hbm>>
        %dma_start3A_626 = arith.constant 0 : i32
        %dma_start3A_627 = arith.constant 512 : i32
        %dma_start3A_628 = tpu.memref_slice %arg12[%dma_start3A_619, %dma_start3A_626, %dma_start3A_627] : memref<2x16x2560xf32, #tpu.memory_space<vmem>> -> memref<1x16x1024xf32, #tpu.memory_space<vmem>>
        %dma_start3A_629 = tpu.memref_squeeze %dma_start3A_628 : memref<1x16x1024xf32, #tpu.memory_space<vmem>> -> memref<16x1024xf32, #tpu.memory_space<vmem>>
        %dma_start3A_630 = arith.constant 0 : i32
        %dma_start3A_631 = tpu.memref_slice %arg3[%add3A_605, %dma_start3A_630] : memref<16384x1024xf32, #tpu.memory_space<hbm>> -> memref<16x1024xf32, #tpu.memory_space<hbm>>
        tpu.enqueue_dma source(%dma_start3A_631 : memref<16x1024xf32, #tpu.memory_space<hbm>>) target(%dma_start3A_629 : memref<16x1024xf32, #tpu.memory_space<vmem>>) target_semaphore(%arg15 : memref<!tpu.dma_semaphore, #tpu.memory_space<semaphore_mem>>)
        %dma_start3A_632 = arith.constant 1 : i32
        %dma_start3A_633 = arith.constant 0 : i32
        %dma_start3A_634 = arith.constant 1536 : i32
        %dma_start3A_635 = tpu.memref_slice %arg12[%dma_start3A_632, %dma_start3A_633, %dma_start3A_634] : memref<2x16x2560xf32, #tpu.memory_space<vmem>> -> memref<1x16x1024xf32, #tpu.memory_space<vmem>>
        %dma_start3A_636 = tpu.memref_squeeze %dma_start3A_635 : memref<1x16x1024xf32, #tpu.memory_space<vmem>> -> memref<16x1024xf32, #tpu.memory_space<vmem>>
        %dma_start3A_637 = arith.constant 0 : i32
        %dma_start3A_638 = tpu.memref_slice %arg4[%add3A_605, %dma_start3A_637] : memref<16384x1024xf32, #tpu.memory_space<hbm>> -> memref<16x1024xf32, #tpu.memory_space<hbm>>
        %dma_start3A_639 = arith.constant 0 : i32
        %dma_start3A_640 = arith.constant 1536 : i32
        %dma_start3A_641 = tpu.memref_slice %arg12[%dma_start3A_632, %dma_start3A_639, %dma_start3A_640] : memref<2x16x2560xf32, #tpu.memory_space<vmem>> -> memref<1x16x1024xf32, #tpu.memory_space<vmem>>
        %dma_start3A_642 = tpu.memref_squeeze %dma_start3A_641 : memref<1x16x1024xf32, #tpu.memory_space<vmem>> -> memref<16x1024xf32, #tpu.memory_space<vmem>>
        %dma_start3A_643 = arith.constant 0 : i32
        %dma_start3A_644 = tpu.memref_slice %arg4[%add3A_605, %dma_start3A_643] : memref<16384x1024xf32, #tpu.memory_space<hbm>> -> memref<16x1024xf32, #tpu.memory_space<hbm>>
        tpu.enqueue_dma source(%dma_start3A_644 : memref<16x1024xf32, #tpu.memory_space<hbm>>) target(%dma_start3A_642 : memref<16x1024xf32, #tpu.memory_space<vmem>>) target_semaphore(%arg15 : memref<!tpu.dma_semaphore, #tpu.memory_space<semaphore_mem>>)
      } else {
      }
      %broadcast_in_dim3A = arith.constant 0.000000e+00 : f32
      %broadcast_in_dim3A_165 = vector.broadcast %broadcast_in_dim3A : f32 to vector<16xf32>
      %broadcast_in_dim3A_166 = arith.constant 0.000000e+00 : f32
      %broadcast_in_dim3A_167 = vector.broadcast %broadcast_in_dim3A_166 : f32 to vector<16xf32>
      %broadcast_in_dim3A_168 = arith.constant 0.000000e+00 : f32
      %broadcast_in_dim3A_169 = vector.broadcast %broadcast_in_dim3A_168 : f32 to vector<16xf32>
      %broadcast_in_dim3A_170 = arith.constant 0.000000e+00 : f32
      %broadcast_in_dim3A_171 = vector.broadcast %broadcast_in_dim3A_170 : f32 to vector<16xf32>
      %broadcast_in_dim3A_172 = arith.constant 0.000000e+00 : f32
      %broadcast_in_dim3A_173 = vector.broadcast %broadcast_in_dim3A_172 : f32 to vector<16xf32>
      %broadcast_in_dim3A_174 = arith.constant 0.000000e+00 : f32
      %broadcast_in_dim3A_175 = vector.broadcast %broadcast_in_dim3A_174 : f32 to vector<16xf32>
      %broadcast_in_dim3A_176 = arith.constant 0.000000e+00 : f32
      %broadcast_in_dim3A_177 = vector.broadcast %broadcast_in_dim3A_176 : f32 to vector<16xf32>
      %broadcast_in_dim3A_178 = arith.constant 0.000000e+00 : f32
      %broadcast_in_dim3A_179 = vector.broadcast %broadcast_in_dim3A_178 : f32 to vector<16xf32>
      %broadcast_in_dim3A_180 = arith.constant 0.000000e+00 : f32
      %broadcast_in_dim3A_181 = vector.broadcast %broadcast_in_dim3A_180 : f32 to vector<16xf32>
      %broadcast_in_dim3A_182 = arith.constant 0.000000e+00 : f32
      %broadcast_in_dim3A_183 = vector.broadcast %broadcast_in_dim3A_182 : f32 to vector<16xf32>
      %broadcast_in_dim3A_184 = arith.constant 0.000000e+00 : f32
      %broadcast_in_dim3A_185 = vector.broadcast %broadcast_in_dim3A_184 : f32 to vector<16xf32>
      %broadcast_in_dim3A_186 = arith.constant 0.000000e+00 : f32
      %broadcast_in_dim3A_187 = vector.broadcast %broadcast_in_dim3A_186 : f32 to vector<16xf32>
      %broadcast_in_dim3A_188 = arith.constant 0.000000e+00 : f32
      %broadcast_in_dim3A_189 = vector.broadcast %broadcast_in_dim3A_188 : f32 to vector<16xf32>
      %broadcast_in_dim3A_190 = arith.constant 0.000000e+00 : f32
      %broadcast_in_dim3A_191 = vector.broadcast %broadcast_in_dim3A_190 : f32 to vector<16xf32>
      %broadcast_in_dim3A_192 = arith.constant 0.000000e+00 : f32
      %broadcast_in_dim3A_193 = vector.broadcast %broadcast_in_dim3A_192 : f32 to vector<16xf32>
      %broadcast_in_dim3A_194 = arith.constant 0.000000e+00 : f32
      %broadcast_in_dim3A_195 = vector.broadcast %broadcast_in_dim3A_194 : f32 to vector<16xf32>
      %scan3A_196 = arith.constant 0 : i32
      %scan3A_197 = arith.constant 160 : i32
      %scan3A_198 = arith.addi %scan3A_196, %scan3A_197 : i32
      %scan3A_199 = arith.constant 1 : i32
      %scan3A_200:16 = scf.for %scan3A_601 = %scan3A_196 to %scan3A_198 step %scan3A_199 iter_args(%scan3A_602 = %broadcast_in_dim3A_165, %scan3A_603 = %broadcast_in_dim3A_167, %scan3A_604 = %broadcast_in_dim3A_169, %scan3A_605 = %broadcast_in_dim3A_171, %scan3A_606 = %broadcast_in_dim3A_173, %scan3A_607 = %broadcast_in_dim3A_175, %scan3A_608 = %broadcast_in_dim3A_177, %scan3A_609 = %broadcast_in_dim3A_179, %scan3A_610 = %broadcast_in_dim3A_181, %scan3A_611 = %broadcast_in_dim3A_183, %scan3A_612 = %broadcast_in_dim3A_185, %scan3A_613 = %broadcast_in_dim3A_187, %scan3A_614 = %broadcast_in_dim3A_189, %scan3A_615 = %broadcast_in_dim3A_191, %scan3A_616 = %broadcast_in_dim3A_193, %scan3A_617 = %broadcast_in_dim3A_195) -> (vector<16xf32>, vector<16xf32>, vector<16xf32>, vector<16xf32>, vector<16xf32>, vector<16xf32>, vector<16xf32>, vector<16xf32>, vector<16xf32>, vector<16xf32>, vector<16xf32>, vector<16xf32>, vector<16xf32>, vector<16xf32>, vector<16xf32>, vector<16xf32>)  : i32 {
        %mul3A_618 = arith.constant 16 : i32
        %mul3A_619 = arith.muli %scan3A_601, %mul3A_618 : i32
        %get3A_620 = arith.index_cast %mul3A_619 : i32 to index
        %get3A_621 = tpu.vector_load %arg10[%get3A_620] {strides = array<i32>} : memref<2560xf32, #tpu.memory_space<vmem>>, vector<16xf32>,
        %get3A_622 = vector.shape_cast %get3A_621 : vector<16xf32> to vector<16xf32>
        %get3A_623 = arith.constant 0 : i32
        %get3A_624 = arith.constant 0 : i32
        %get3A_625 = arith.index_cast %get3A_623 : i32 to index
        %get3A_626 = arith.index_cast %get3A_624 : i32 to index
        %get3A_627 = arith.index_cast %mul3A_619 : i32 to index
        %get3A_628 = tpu.vector_load %arg12[%get3A_625, %get3A_626, %get3A_627] {strides = array<i32>} : memref<2x16x2560xf32, #tpu.memory_space<vmem>>, vector<1x1x16xf32>,
        %get3A_629 = vector.shape_cast %get3A_628 : vector<1x1x16xf32> to vector<16xf32>
        %mul3A_630 = arith.mulf %get3A_629, %get3A_622 : vector<16xf32>
        %add3A_631 = arith.addf %scan3A_602, %mul3A_630 : vector<16xf32>
        %get3A_632 = arith.constant 0 : i32
        %get3A_633 = arith.constant 1 : i32
        %get3A_634 = arith.index_cast %get3A_632 : i32 to index
        %get3A_635 = arith.index_cast %get3A_633 : i32 to index
        %get3A_636 = arith.index_cast %mul3A_619 : i32 to index
        %get3A_637 = tpu.vector_load %arg12[%get3A_634, %get3A_635, %get3A_636] {strides = array<i32>} : memref<2x16x2560xf32, #tpu.memory_space<vmem>>, vector<1x1x16xf32>,
        %get3A_638 = vector.shape_cast %get3A_637 : vector<1x1x16xf32> to vector<16xf32>
        %mul3A_639 = arith.mulf %get3A_638, %get3A_622 : vector<16xf32>
        %add3A_640 = arith.addf %scan3A_603, %mul3A_639 : vector<16xf32>
        %get3A_641 = arith.constant 0 : i32
        %get3A_642 = arith.constant 2 : i32
        %get3A_643 = arith.index_cast %get3A_641 : i32 to index
        %get3A_644 = arith.index_cast %get3A_642 : i32 to index
        %get3A_645 = arith.index_cast %mul3A_619 : i32 to index
        %get3A_646 = tpu.vector_load %arg12[%get3A_643, %get3A_644, %get3A_645] {strides = array<i32>} : memref<2x16x2560xf32, #tpu.memory_space<vmem>>, vector<1x1x16xf32>,
        %get3A_647 = vector.shape_cast %get3A_646 : vector<1x1x16xf32> to vector<16xf32>
        %mul3A_648 = arith.mulf %get3A_647, %get3A_622 : vector<16xf32>
        %add3A_649 = arith.addf %scan3A_604, %mul3A_648 : vector<16xf32>
        %get3A_650 = arith.constant 0 : i32
        %get3A_651 = arith.constant 3 : i32
        %get3A_652 = arith.index_cast %get3A_650 : i32 to index
        %get3A_653 = arith.index_cast %get3A_651 : i32 to index
        %get3A_654 = arith.index_cast %mul3A_619 : i32 to index
        %get3A_655 = tpu.vector_load %arg12[%get3A_652, %get3A_653, %get3A_654] {strides = array<i32>} : memref<2x16x2560xf32, #tpu.memory_space<vmem>>, vector<1x1x16xf32>,
        %get3A_656 = vector.shape_cast %get3A_655 : vector<1x1x16xf32> to vector<16xf32>
        %mul3A_657 = arith.mulf %get3A_656, %get3A_622 : vector<16xf32>
        %add3A_658 = arith.addf %scan3A_605, %mul3A_657 : vector<16xf32>
        %get3A_659 = arith.constant 0 : i32
        %get3A_660 = arith.constant 4 : i32
        %get3A_661 = arith.index_cast %get3A_659 : i32 to index
        %get3A_662 = arith.index_cast %get3A_660 : i32 to index
        %get3A_663 = arith.index_cast %mul3A_619 : i32 to index
        %get3A_664 = tpu.vector_load %arg12[%get3A_661, %get3A_662, %get3A_663] {strides = array<i32>} : memref<2x16x2560xf32, #tpu.memory_space<vmem>>, vector<1x1x16xf32>,
        %get3A_665 = vector.shape_cast %get3A_664 : vector<1x1x16xf32> to vector<16xf32>
        %mul3A_666 = arith.mulf %get3A_665, %get3A_622 : vector<16xf32>
        %add3A_667 = arith.addf %scan3A_606, %mul3A_666 : vector<16xf32>
        %get3A_668 = arith.constant 0 : i32
        %get3A_669 = arith.constant 5 : i32
        %get3A_670 = arith.index_cast %get3A_668 : i32 to index
        %get3A_671 = arith.index_cast %get3A_669 : i32 to index
        %get3A_672 = arith.index_cast %mul3A_619 : i32 to index
        %get3A_673 = tpu.vector_load %arg12[%get3A_670, %get3A_671, %get3A_672] {strides = array<i32>} : memref<2x16x2560xf32, #tpu.memory_space<vmem>>, vector<1x1x16xf32>,
        %get3A_674 = vector.shape_cast %get3A_673 : vector<1x1x16xf32> to vector<16xf32>
        %mul3A_675 = arith.mulf %get3A_674, %get3A_622 : vector<16xf32>
        %add3A_676 = arith.addf %scan3A_607, %mul3A_675 : vector<16xf32>
        %get3A_677 = arith.constant 0 : i32
        %get3A_678 = arith.constant 6 : i32
        %get3A_679 = arith.index_cast %get3A_677 : i32 to index
        %get3A_680 = arith.index_cast %get3A_678 : i32 to index
        %get3A_681 = arith.index_cast %mul3A_619 : i32 to index
        %get3A_682 = tpu.vector_load %arg12[%get3A_679, %get3A_680, %get3A_681] {strides = array<i32>} : memref<2x16x2560xf32, #tpu.memory_space<vmem>>, vector<1x1x16xf32>,
        %get3A_683 = vector.shape_cast %get3A_682 : vector<1x1x16xf32> to vector<16xf32>
        %mul3A_684 = arith.mulf %get3A_683, %get3A_622 : vector<16xf32>
        %add3A_685 = arith.addf %scan3A_608, %mul3A_684 : vector<16xf32>
        %get3A_686 = arith.constant 0 : i32
        %get3A_687 = arith.constant 7 : i32
        %get3A_688 = arith.index_cast %get3A_686 : i32 to index
        %get3A_689 = arith.index_cast %get3A_687 : i32 to index
        %get3A_690 = arith.index_cast %mul3A_619 : i32 to index
        %get3A_691 = tpu.vector_load %arg12[%get3A_688, %get3A_689, %get3A_690] {strides = array<i32>} : memref<2x16x2560xf32, #tpu.memory_space<vmem>>, vector<1x1x16xf32>,
        %get3A_692 = vector.shape_cast %get3A_691 : vector<1x1x16xf32> to vector<16xf32>
        %mul3A_693 = arith.mulf %get3A_692, %get3A_622 : vector<16xf32>
        %add3A_694 = arith.addf %scan3A_609, %mul3A_693 : vector<16xf32>
        %get3A_695 = arith.constant 0 : i32
        %get3A_696 = arith.constant 8 : i32
        %get3A_697 = arith.index_cast %get3A_695 : i32 to index
        %get3A_698 = arith.index_cast %get3A_696 : i32 to index
        %get3A_699 = arith.index_cast %mul3A_619 : i32 to index
        %get3A_700 = tpu.vector_load %arg12[%get3A_697, %get3A_698, %get3A_699] {strides = array<i32>} : memref<2x16x2560xf32, #tpu.memory_space<vmem>>, vector<1x1x16xf32>,
        %get3A_701 = vector.shape_cast %get3A_700 : vector<1x1x16xf32> to vector<16xf32>
        %mul3A_702 = arith.mulf %get3A_701, %get3A_622 : vector<16xf32>
        %add3A_703 = arith.addf %scan3A_610, %mul3A_702 : vector<16xf32>
        %get3A_704 = arith.constant 0 : i32
        %get3A_705 = arith.constant 9 : i32
        %get3A_706 = arith.index_cast %get3A_704 : i32 to index
        %get3A_707 = arith.index_cast %get3A_705 : i32 to index
        %get3A_708 = arith.index_cast %mul3A_619 : i32 to index
        %get3A_709 = tpu.vector_load %arg12[%get3A_706, %get3A_707, %get3A_708] {strides = array<i32>} : memref<2x16x2560xf32, #tpu.memory_space<vmem>>, vector<1x1x16xf32>,
        %get3A_710 = vector.shape_cast %get3A_709 : vector<1x1x16xf32> to vector<16xf32>
        %mul3A_711 = arith.mulf %get3A_710, %get3A_622 : vector<16xf32>
        %add3A_712 = arith.addf %scan3A_611, %mul3A_711 : vector<16xf32>
        %get3A_713 = arith.constant 0 : i32
        %get3A_714 = arith.constant 10 : i32
        %get3A_715 = arith.index_cast %get3A_713 : i32 to index
        %get3A_716 = arith.index_cast %get3A_714 : i32 to index
        %get3A_717 = arith.index_cast %mul3A_619 : i32 to index
        %get3A_718 = tpu.vector_load %arg12[%get3A_715, %get3A_716, %get3A_717] {strides = array<i32>} : memref<2x16x2560xf32, #tpu.memory_space<vmem>>, vector<1x1x16xf32>,
        %get3A_719 = vector.shape_cast %get3A_718 : vector<1x1x16xf32> to vector<16xf32>
        %mul3A_720 = arith.mulf %get3A_719, %get3A_622 : vector<16xf32>
        %add3A_721 = arith.addf %scan3A_612, %mul3A_720 : vector<16xf32>
        %get3A_722 = arith.constant 0 : i32
        %get3A_723 = arith.constant 11 : i32
        %get3A_724 = arith.index_cast %get3A_722 : i32 to index
        %get3A_725 = arith.index_cast %get3A_723 : i32 to index
        %get3A_726 = arith.index_cast %mul3A_619 : i32 to index
        %get3A_727 = tpu.vector_load %arg12[%get3A_724, %get3A_725, %get3A_726] {strides = array<i32>} : memref<2x16x2560xf32, #tpu.memory_space<vmem>>, vector<1x1x16xf32>,
        %get3A_728 = vector.shape_cast %get3A_727 : vector<1x1x16xf32> to vector<16xf32>
        %mul3A_729 = arith.mulf %get3A_728, %get3A_622 : vector<16xf32>
        %add3A_730 = arith.addf %scan3A_613, %mul3A_729 : vector<16xf32>
        %get3A_731 = arith.constant 0 : i32
        %get3A_732 = arith.constant 12 : i32
        %get3A_733 = arith.index_cast %get3A_731 : i32 to index
        %get3A_734 = arith.index_cast %get3A_732 : i32 to index
        %get3A_735 = arith.index_cast %mul3A_619 : i32 to index
        %get3A_736 = tpu.vector_load %arg12[%get3A_733, %get3A_734, %get3A_735] {strides = array<i32>} : memref<2x16x2560xf32, #tpu.memory_space<vmem>>, vector<1x1x16xf32>,
        %get3A_737 = vector.shape_cast %get3A_736 : vector<1x1x16xf32> to vector<16xf32>
        %mul3A_738 = arith.mulf %get3A_737, %get3A_622 : vector<16xf32>
        %add3A_739 = arith.addf %scan3A_614, %mul3A_738 : vector<16xf32>
        %get3A_740 = arith.constant 0 : i32
        %get3A_741 = arith.constant 13 : i32
        %get3A_742 = arith.index_cast %get3A_740 : i32 to index
        %get3A_743 = arith.index_cast %get3A_741 : i32 to index
        %get3A_744 = arith.index_cast %mul3A_619 : i32 to index
        %get3A_745 = tpu.vector_load %arg12[%get3A_742, %get3A_743, %get3A_744] {strides = array<i32>} : memref<2x16x2560xf32, #tpu.memory_space<vmem>>, vector<1x1x16xf32>,
        %get3A_746 = vector.shape_cast %get3A_745 : vector<1x1x16xf32> to vector<16xf32>
        %mul3A_747 = arith.mulf %get3A_746, %get3A_622 : vector<16xf32>
        %add3A_748 = arith.addf %scan3A_615, %mul3A_747 : vector<16xf32>
        %get3A_749 = arith.constant 0 : i32
        %get3A_750 = arith.constant 14 : i32
        %get3A_751 = arith.index_cast %get3A_749 : i32 to index
        %get3A_752 = arith.index_cast %get3A_750 : i32 to index
        %get3A_753 = arith.index_cast %mul3A_619 : i32 to index
        %get3A_754 = tpu.vector_load %arg12[%get3A_751, %get3A_752, %get3A_753] {strides = array<i32>} : memref<2x16x2560xf32, #tpu.memory_space<vmem>>, vector<1x1x16xf32>,
        %get3A_755 = vector.shape_cast %get3A_754 : vector<1x1x16xf32> to vector<16xf32>
        %mul3A_756 = arith.mulf %get3A_755, %get3A_622 : vector<16xf32>
        %add3A_757 = arith.addf %scan3A_616, %mul3A_756 : vector<16xf32>
        %get3A_758 = arith.constant 0 : i32
        %get3A_759 = arith.constant 15 : i32
        %get3A_760 = arith.index_cast %get3A_758 : i32 to index
        %get3A_761 = arith.index_cast %get3A_759 : i32 to index
        %get3A_762 = arith.index_cast %mul3A_619 : i32 to index
        %get3A_763 = tpu.vector_load %arg12[%get3A_760, %get3A_761, %get3A_762] {strides = array<i32>} : memref<2x16x2560xf32, #tpu.memory_space<vmem>>, vector<1x1x16xf32>,
        %get3A_764 = vector.shape_cast %get3A_763 : vector<1x1x16xf32> to vector<16xf32>
        %mul3A_765 = arith.mulf %get3A_764, %get3A_622 : vector<16xf32>
        %add3A_766 = arith.addf %scan3A_617, %mul3A_765 : vector<16xf32>
        scf.yield %add3A_631, %add3A_640, %add3A_649, %add3A_658, %add3A_667, %add3A_676, %add3A_685, %add3A_694, %add3A_703, %add3A_712, %add3A_721, %add3A_730, %add3A_739, %add3A_748, %add3A_757, %add3A_766 : vector<16xf32>, vector<16xf32>, vector<16xf32>, vector<16xf32>, vector<16xf32>, vector<16xf32>, vector<16xf32>, vector<16xf32>, vector<16xf32>, vector<16xf32>, vector<16xf32>, vector<16xf32>, vector<16xf32>, vector<16xf32>, vector<16xf32>, vector<16xf32>
      }
      %scan3A_201 = arith.constant 160 : i32
      %broadcast_in_dim3A_202 = vector.shape_cast %or3A : vector<16xi32> to vector<16x1xi32>
      %gather3A = vector.shape_cast %broadcast_in_dim3A_202 : vector<16x1xi32> to vector<16xi32>
      %gather3A_203 = tpu.dynamic_gather %scan3A_200#0[%gather3A] in [0] : vector<16xf32>, vector<16xi32> -> vector<16xf32>
      %add3A_204 = arith.addf %scan3A_200#0, %gather3A_203 : vector<16xf32>
      %broadcast_in_dim3A_205 = vector.shape_cast %or3A : vector<16xi32> to vector<16x1xi32>
      %gather3A_206 = vector.shape_cast %broadcast_in_dim3A_205 : vector<16x1xi32> to vector<16xi32>
      %gather3A_207 = tpu.dynamic_gather %scan3A_200#8[%gather3A_206] in [0] : vector<16xf32>, vector<16xi32> -> vector<16xf32>
      %add3A_208 = arith.addf %scan3A_200#8, %gather3A_207 : vector<16xf32>
      %select_n3A = arith.select %eq3A_19, %add3A_204, %add3A_208 : vector<16xi1>, vector<16xf32>
      %broadcast_in_dim3A_209 = vector.shape_cast %or3A : vector<16xi32> to vector<16x1xi32>
      %gather3A_210 = vector.shape_cast %broadcast_in_dim3A_209 : vector<16x1xi32> to vector<16xi32>
      %gather3A_211 = tpu.dynamic_gather %scan3A_200#1[%gather3A_210] in [0] : vector<16xf32>, vector<16xi32> -> vector<16xf32>
      %add3A_212 = arith.addf %scan3A_200#1, %gather3A_211 : vector<16xf32>
      %broadcast_in_dim3A_213 = vector.shape_cast %or3A : vector<16xi32> to vector<16x1xi32>
      %gather3A_214 = vector.shape_cast %broadcast_in_dim3A_213 : vector<16x1xi32> to vector<16xi32>
      %gather3A_215 = tpu.dynamic_gather %scan3A_200#9[%gather3A_214] in [0] : vector<16xf32>, vector<16xi32> -> vector<16xf32>
      %add3A_216 = arith.addf %scan3A_200#9, %gather3A_215 : vector<16xf32>
      %select_n3A_217 = arith.select %eq3A_19, %add3A_212, %add3A_216 : vector<16xi1>, vector<16xf32>
      %broadcast_in_dim3A_218 = vector.shape_cast %or3A : vector<16xi32> to vector<16x1xi32>
      %gather3A_219 = vector.shape_cast %broadcast_in_dim3A_218 : vector<16x1xi32> to vector<16xi32>
      %gather3A_220 = tpu.dynamic_gather %scan3A_200#2[%gather3A_219] in [0] : vector<16xf32>, vector<16xi32> -> vector<16xf32>
      %add3A_221 = arith.addf %scan3A_200#2, %gather3A_220 : vector<16xf32>
      %broadcast_in_dim3A_222 = vector.shape_cast %or3A : vector<16xi32> to vector<16x1xi32>
      %gather3A_223 = vector.shape_cast %broadcast_in_dim3A_222 : vector<16x1xi32> to vector<16xi32>
      %gather3A_224 = tpu.dynamic_gather %scan3A_200#10[%gather3A_223] in [0] : vector<16xf32>, vector<16xi32> -> vector<16xf32>
      %add3A_225 = arith.addf %scan3A_200#10, %gather3A_224 : vector<16xf32>
      %select_n3A_226 = arith.select %eq3A_19, %add3A_221, %add3A_225 : vector<16xi1>, vector<16xf32>
      %broadcast_in_dim3A_227 = vector.shape_cast %or3A : vector<16xi32> to vector<16x1xi32>
      %gather3A_228 = vector.shape_cast %broadcast_in_dim3A_227 : vector<16x1xi32> to vector<16xi32>
      %gather3A_229 = tpu.dynamic_gather %scan3A_200#3[%gather3A_228] in [0] : vector<16xf32>, vector<16xi32> -> vector<16xf32>
      %add3A_230 = arith.addf %scan3A_200#3, %gather3A_229 : vector<16xf32>
      %broadcast_in_dim3A_231 = vector.shape_cast %or3A : vector<16xi32> to vector<16x1xi32>
      %gather3A_232 = vector.shape_cast %broadcast_in_dim3A_231 : vector<16x1xi32> to vector<16xi32>
      %gather3A_233 = tpu.dynamic_gather %scan3A_200#11[%gather3A_232] in [0] : vector<16xf32>, vector<16xi32> -> vector<16xf32>
      %add3A_234 = arith.addf %scan3A_200#11, %gather3A_233 : vector<16xf32>
      %select_n3A_235 = arith.select %eq3A_19, %add3A_230, %add3A_234 : vector<16xi1>, vector<16xf32>
      %broadcast_in_dim3A_236 = vector.shape_cast %or3A : vector<16xi32> to vector<16x1xi32>
      %gather3A_237 = vector.shape_cast %broadcast_in_dim3A_236 : vector<16x1xi32> to vector<16xi32>
      %gather3A_238 = tpu.dynamic_gather %scan3A_200#4[%gather3A_237] in [0] : vector<16xf32>, vector<16xi32> -> vector<16xf32>
      %add3A_239 = arith.addf %scan3A_200#4, %gather3A_238 : vector<16xf32>
      %broadcast_in_dim3A_240 = vector.shape_cast %or3A : vector<16xi32> to vector<16x1xi32>
      %gather3A_241 = vector.shape_cast %broadcast_in_dim3A_240 : vector<16x1xi32> to vector<16xi32>
      %gather3A_242 = tpu.dynamic_gather %scan3A_200#12[%gather3A_241] in [0] : vector<16xf32>, vector<16xi32> -> vector<16xf32>
      %add3A_243 = arith.addf %scan3A_200#12, %gather3A_242 : vector<16xf32>
      %select_n3A_244 = arith.select %eq3A_19, %add3A_239, %add3A_243 : vector<16xi1>, vector<16xf32>
      %broadcast_in_dim3A_245 = vector.shape_cast %or3A : vector<16xi32> to vector<16x1xi32>
      %gather3A_246 = vector.shape_cast %broadcast_in_dim3A_245 : vector<16x1xi32> to vector<16xi32>
      %gather3A_247 = tpu.dynamic_gather %scan3A_200#5[%gather3A_246] in [0] : vector<16xf32>, vector<16xi32> -> vector<16xf32>
      %add3A_248 = arith.addf %scan3A_200#5, %gather3A_247 : vector<16xf32>
      %broadcast_in_dim3A_249 = vector.shape_cast %or3A : vector<16xi32> to vector<16x1xi32>
      %gather3A_250 = vector.shape_cast %broadcast_in_dim3A_249 : vector<16x1xi32> to vector<16xi32>
      %gather3A_251 = tpu.dynamic_gather %scan3A_200#13[%gather3A_250] in [0] : vector<16xf32>, vector<16xi32> -> vector<16xf32>
      %add3A_252 = arith.addf %scan3A_200#13, %gather3A_251 : vector<16xf32>
      %select_n3A_253 = arith.select %eq3A_19, %add3A_248, %add3A_252 : vector<16xi1>, vector<16xf32>
      %broadcast_in_dim3A_254 = vector.shape_cast %or3A : vector<16xi32> to vector<16x1xi32>
      %gather3A_255 = vector.shape_cast %broadcast_in_dim3A_254 : vector<16x1xi32> to vector<16xi32>
      %gather3A_256 = tpu.dynamic_gather %scan3A_200#6[%gather3A_255] in [0] : vector<16xf32>, vector<16xi32> -> vector<16xf32>
      %add3A_257 = arith.addf %scan3A_200#6, %gather3A_256 : vector<16xf32>
      %broadcast_in_dim3A_258 = vector.shape_cast %or3A : vector<16xi32> to vector<16x1xi32>
      %gather3A_259 = vector.shape_cast %broadcast_in_dim3A_258 : vector<16x1xi32> to vector<16xi32>
      %gather3A_260 = tpu.dynamic_gather %scan3A_200#14[%gather3A_259] in [0] : vector<16xf32>, vector<16xi32> -> vector<16xf32>
      %add3A_261 = arith.addf %scan3A_200#14, %gather3A_260 : vector<16xf32>
      %select_n3A_262 = arith.select %eq3A_19, %add3A_257, %add3A_261 : vector<16xi1>, vector<16xf32>
      %broadcast_in_dim3A_263 = vector.shape_cast %or3A : vector<16xi32> to vector<16x1xi32>
      %gather3A_264 = vector.shape_cast %broadcast_in_dim3A_263 : vector<16x1xi32> to vector<16xi32>
      %gather3A_265 = tpu.dynamic_gather %scan3A_200#7[%gather3A_264] in [0] : vector<16xf32>, vector<16xi32> -> vector<16xf32>
      %add3A_266 = arith.addf %scan3A_200#7, %gather3A_265 : vector<16xf32>
      %broadcast_in_dim3A_267 = vector.shape_cast %or3A : vector<16xi32> to vector<16x1xi32>
      %gather3A_268 = vector.shape_cast %broadcast_in_dim3A_267 : vector<16x1xi32> to vector<16xi32>
      %gather3A_269 = tpu.dynamic_gather %scan3A_200#15[%gather3A_268] in [0] : vector<16xf32>, vector<16xi32> -> vector<16xf32>
      %add3A_270 = arith.addf %scan3A_200#15, %gather3A_269 : vector<16xf32>
      %select_n3A_271 = arith.select %eq3A_19, %add3A_266, %add3A_270 : vector<16xi1>, vector<16xf32>
      %broadcast_in_dim3A_272 = vector.shape_cast %or3A_29 : vector<16xi32> to vector<16x1xi32>
      %gather3A_273 = vector.shape_cast %broadcast_in_dim3A_272 : vector<16x1xi32> to vector<16xi32>
      %gather3A_274 = tpu.dynamic_gather %select_n3A[%gather3A_273] in [0] : vector<16xf32>, vector<16xi32> -> vector<16xf32>
      %add3A_275 = arith.addf %select_n3A, %gather3A_274 : vector<16xf32>
      %broadcast_in_dim3A_276 = vector.shape_cast %or3A_29 : vector<16xi32> to vector<16x1xi32>
      %gather3A_277 = vector.shape_cast %broadcast_in_dim3A_276 : vector<16x1xi32> to vector<16xi32>
      %gather3A_278 = tpu.dynamic_gather %select_n3A_244[%gather3A_277] in [0] : vector<16xf32>, vector<16xi32> -> vector<16xf32>
      %add3A_279 = arith.addf %select_n3A_244, %gather3A_278 : vector<16xf32>
      %select_n3A_280 = arith.select %eq3A_35, %add3A_275, %add3A_279 : vector<16xi1>, vector<16xf32>
      %broadcast_in_dim3A_281 = vector.shape_cast %or3A_29 : vector<16xi32> to vector<16x1xi32>
      %gather3A_282 = vector.shape_cast %broadcast_in_dim3A_281 : vector<16x1xi32> to vector<16xi32>
      %gather3A_283 = tpu.dynamic_gather %select_n3A_217[%gather3A_282] in [0] : vector<16xf32>, vector<16xi32> -> vector<16xf32>
      %add3A_284 = arith.addf %select_n3A_217, %gather3A_283 : vector<16xf32>
      %broadcast_in_dim3A_285 = vector.shape_cast %or3A_29 : vector<16xi32> to vector<16x1xi32>
      %gather3A_286 = vector.shape_cast %broadcast_in_dim3A_285 : vector<16x1xi32> to vector<16xi32>
      %gather3A_287 = tpu.dynamic_gather %select_n3A_253[%gather3A_286] in [0] : vector<16xf32>, vector<16xi32> -> vector<16xf32>
      %add3A_288 = arith.addf %select_n3A_253, %gather3A_287 : vector<16xf32>
      %select_n3A_289 = arith.select %eq3A_35, %add3A_284, %add3A_288 : vector<16xi1>, vector<16xf32>
      %broadcast_in_dim3A_290 = vector.shape_cast %or3A_29 : vector<16xi32> to vector<16x1xi32>
      %gather3A_291 = vector.shape_cast %broadcast_in_dim3A_290 : vector<16x1xi32> to vector<16xi32>
      %gather3A_292 = tpu.dynamic_gather %select_n3A_226[%gather3A_291] in [0] : vector<16xf32>, vector<16xi32> -> vector<16xf32>
      %add3A_293 = arith.addf %select_n3A_226, %gather3A_292 : vector<16xf32>
      %broadcast_in_dim3A_294 = vector.shape_cast %or3A_29 : vector<16xi32> to vector<16x1xi32>
      %gather3A_295 = vector.shape_cast %broadcast_in_dim3A_294 : vector<16x1xi32> to vector<16xi32>
      %gather3A_296 = tpu.dynamic_gather %select_n3A_262[%gather3A_295] in [0] : vector<16xf32>, vector<16xi32> -> vector<16xf32>
      %add3A_297 = arith.addf %select_n3A_262, %gather3A_296 : vector<16xf32>
      %select_n3A_298 = arith.select %eq3A_35, %add3A_293, %add3A_297 : vector<16xi1>, vector<16xf32>
      %broadcast_in_dim3A_299 = vector.shape_cast %or3A_29 : vector<16xi32> to vector<16x1xi32>
      %gather3A_300 = vector.shape_cast %broadcast_in_dim3A_299 : vector<16x1xi32> to vector<16xi32>
      %gather3A_301 = tpu.dynamic_gather %select_n3A_235[%gather3A_300] in [0] : vector<16xf32>, vector<16xi32> -> vector<16xf32>
      %add3A_302 = arith.addf %select_n3A_235, %gather3A_301 : vector<16xf32>
      %broadcast_in_dim3A_303 = vector.shape_cast %or3A_29 : vector<16xi32> to vector<16x1xi32>
      %gather3A_304 = vector.shape_cast %broadcast_in_dim3A_303 : vector<16x1xi32> to vector<16xi32>
      %gather3A_305 = tpu.dynamic_gather %select_n3A_271[%gather3A_304] in [0] : vector<16xf32>, vector<16xi32> -> vector<16xf32>
      %add3A_306 = arith.addf %select_n3A_271, %gather3A_305 : vector<16xf32>
      %select_n3A_307 = arith.select %eq3A_35, %add3A_302, %add3A_306 : vector<16xi1>, vector<16xf32>
      %broadcast_in_dim3A_308 = vector.shape_cast %or3A_45 : vector<16xi32> to vector<16x1xi32>
      %gather3A_309 = vector.shape_cast %broadcast_in_dim3A_308 : vector<16x1xi32> to vector<16xi32>
      %gather3A_310 = tpu.dynamic_gather %select_n3A_280[%gather3A_309] in [0] : vector<16xf32>, vector<16xi32> -> vector<16xf32>
      %add3A_311 = arith.addf %select_n3A_280, %gather3A_310 : vector<16xf32>
      %broadcast_in_dim3A_312 = vector.shape_cast %or3A_45 : vector<16xi32> to vector<16x1xi32>
      %gather3A_313 = vector.shape_cast %broadcast_in_dim3A_312 : vector<16x1xi32> to vector<16xi32>
      %gather3A_314 = tpu.dynamic_gather %select_n3A_298[%gather3A_313] in [0] : vector<16xf32>, vector<16xi32> -> vector<16xf32>
      %add3A_315 = arith.addf %select_n3A_298, %gather3A_314 : vector<16xf32>
      %select_n3A_316 = arith.select %eq3A_51, %add3A_311, %add3A_315 : vector<16xi1>, vector<16xf32>
      %broadcast_in_dim3A_317 = vector.shape_cast %or3A_45 : vector<16xi32> to vector<16x1xi32>
      %gather3A_318 = vector.shape_cast %broadcast_in_dim3A_317 : vector<16x1xi32> to vector<16xi32>
      %gather3A_319 = tpu.dynamic_gather %select_n3A_289[%gather3A_318] in [0] : vector<16xf32>, vector<16xi32> -> vector<16xf32>
      %add3A_320 = arith.addf %select_n3A_289, %gather3A_319 : vector<16xf32>
      %broadcast_in_dim3A_321 = vector.shape_cast %or3A_45 : vector<16xi32> to vector<16x1xi32>
      %gather3A_322 = vector.shape_cast %broadcast_in_dim3A_321 : vector<16x1xi32> to vector<16xi32>
      %gather3A_323 = tpu.dynamic_gather %select_n3A_307[%gather3A_322] in [0] : vector<16xf32>, vector<16xi32> -> vector<16xf32>
      %add3A_324 = arith.addf %select_n3A_307, %gather3A_323 : vector<16xf32>
      %select_n3A_325 = arith.select %eq3A_51, %add3A_320, %add3A_324 : vector<16xi1>, vector<16xf32>
      %broadcast_in_dim3A_326 = vector.shape_cast %or3A_61 : vector<16xi32> to vector<16x1xi32>
      %gather3A_327 = vector.shape_cast %broadcast_in_dim3A_326 : vector<16x1xi32> to vector<16xi32>
      %gather3A_328 = tpu.dynamic_gather %select_n3A_316[%gather3A_327] in [0] : vector<16xf32>, vector<16xi32> -> vector<16xf32>
      %add3A_329 = arith.addf %select_n3A_316, %gather3A_328 : vector<16xf32>
      %broadcast_in_dim3A_330 = vector.shape_cast %or3A_61 : vector<16xi32> to vector<16x1xi32>
      %gather3A_331 = vector.shape_cast %broadcast_in_dim3A_330 : vector<16x1xi32> to vector<16xi32>
      %gather3A_332 = tpu.dynamic_gather %select_n3A_325[%gather3A_331] in [0] : vector<16xf32>, vector<16xi32> -> vector<16xf32>
      %add3A_333 = arith.addf %select_n3A_325, %gather3A_332 : vector<16xf32>
      %select_n3A_334 = arith.select %eq3A_67, %add3A_329, %add3A_333 : vector<16xi1>, vector<16xf32>
      %get3A = arith.constant 0 : index
      %get3A_335 = tpu.vector_load %arg11[%get3A] {strides = array<i32>} : memref<16xf32, #tpu.memory_space<vmem>>, vector<16xf32>,
      %get3A_336 = vector.shape_cast %get3A_335 : vector<16xf32> to vector<16xf32>
      %slice3A = vector.extract_strided_slice %get3A_336 {offsets = [0], sizes = [1], strides = [1]} : vector<16xf32> to vector<1xf32>
      %squeeze3A = vector.extract %slice3A[0] : f32 from vector<1xf32>
      %add3A_337 = vector.broadcast %squeeze3A : f32 to vector<16xf32>
      %add3A_338 = arith.addf %select_n3A_334, %add3A_337 : vector<16xf32>
      %neg3A = arith.constant 0.000000e+00 : f32
      %neg3A_339 = vector.broadcast %neg3A : f32 to vector<16xf32>
      %neg3A_340 = arith.subf %neg3A_339, %add3A_338 : vector<16xf32>
      %exp3A = math.exp %neg3A_340 : vector<16xf32>
      %add3A_341 = arith.constant 1.000000e+00 : f32
      %add3A_342 = vector.broadcast %add3A_341 : f32 to vector<16xf32>
      %add3A_343 = arith.addf %add3A_342, %exp3A : vector<16xf32>
      %div3A = arith.constant 1.000000e+00 : f32
      %div3A_344 = vector.broadcast %div3A : f32 to vector<16xf32>
      %div3A_345 = arith.divf %div3A_344, %add3A_343 : vector<16xf32>
      %mul3A_346 = arith.constant 16 : i32
      %mul3A_347 = arith.muli %add3A_119, %mul3A_346 : i32
      %swap3A = arith.index_cast %mul3A_347 : i32 to index
      %swap3A_348 = tpu.vector_load %arg13[%swap3A] {strides = array<i32>} : memref<64xf32, #tpu.memory_space<vmem>>, vector<16xf32>,
      %swap3A_349 = vector.shape_cast %swap3A_348 : vector<16xf32> to vector<16xf32>
      %swap3A_350 = vector.shape_cast %div3A_345 : vector<16xf32> to vector<16xf32>
      tpu.vector_store %arg13[%swap3A], %swap3A_350 {strides = array<i32>} : memref<64xf32, #tpu.memory_space<vmem>>, vector<16xf32>,
      %mul3A_351 = arith.constant 2 : i32
      %mul3A_352 = arith.muli %mul3A_351, %scan3A_114 : i32
      %add3A_353 = arith.constant 1 : i32
      %add3A_354 = arith.addi %mul3A_352, %add3A_353 : i32
      %mul3A_355 = arith.constant 16 : i32
      %mul3A_356 = arith.muli %add3A_354, %mul3A_355 : i32
      %add3A_357 = arith.addi %add3A_4, %mul3A_356 : i32
      %dma_wait3A_358 = arith.constant 1 : i32
      %dma_wait3A_359 = arith.constant 0 : i32
      %dma_wait3A_360 = arith.constant 0 : i32
      %dma_wait3A_361 = tpu.memref_slice %arg12[%dma_wait3A_358, %dma_wait3A_359, %dma_wait3A_360] : memref<2x16x2560xf32, #tpu.memory_space<vmem>> -> memref<1x16x512xf32, #tpu.memory_space<vmem>>
      %dma_wait3A_362 = tpu.memref_squeeze %dma_wait3A_361 : memref<1x16x512xf32, #tpu.memory_space<vmem>> -> memref<16x512xf32, #tpu.memory_space<vmem>>
      %dma_wait3A_363 = arith.constant 0 : i32
      %dma_wait3A_364 = tpu.memref_slice %arg2[%add3A_357, %dma_wait3A_363] : memref<16384x512xf32, #tpu.memory_space<hbm>> -> memref<16x512xf32, #tpu.memory_space<hbm>>
      %dma_wait3A_365 = arith.constant 0 : i32
      %dma_wait3A_366 = arith.constant 0 : i32
      %dma_wait3A_367 = tpu.memref_slice %arg12[%dma_wait3A_358, %dma_wait3A_365, %dma_wait3A_366] : memref<2x16x2560xf32, #tpu.memory_space<vmem>> -> memref<1x16x512xf32, #tpu.memory_space<vmem>>
      %dma_wait3A_368 = tpu.memref_squeeze %dma_wait3A_367 : memref<1x16x512xf32, #tpu.memory_space<vmem>> -> memref<16x512xf32, #tpu.memory_space<vmem>>
      %dma_wait3A_369 = arith.constant 0 : i32
      %dma_wait3A_370 = tpu.memref_slice %arg2[%add3A_357, %dma_wait3A_369] : memref<16384x512xf32, #tpu.memory_space<hbm>> -> memref<16x512xf32, #tpu.memory_space<hbm>>
      tpu.wait_dma2 semaphore(%arg15 : memref<!tpu.dma_semaphore, #tpu.memory_space<semaphore_mem>>) src(%dma_wait3A_370 : memref<16x512xf32, #tpu.memory_space<hbm>>) dst(%dma_wait3A_368 : memref<16x512xf32, #tpu.memory_space<vmem>>)
      %dma_wait3A_371 = arith.constant 1 : i32
      %dma_wait3A_372 = arith.constant 0 : i32
      %dma_wait3A_373 = arith.constant 512 : i32
      %dma_wait3A_374 = tpu.memref_slice %arg12[%dma_wait3A_371, %dma_wait3A_372, %dma_wait3A_373] : memref<2x16x2560xf32, #tpu.memory_space<vmem>> -> memref<1x16x1024xf32, #tpu.memory_space<vmem>>
      %dma_wait3A_375 = tpu.memref_squeeze %dma_wait3A_374 : memref<1x16x1024xf32, #tpu.memory_space<vmem>> -> memref<16x1024xf32, #tpu.memory_space<vmem>>
      %dma_wait3A_376 = arith.constant 0 : i32
      %dma_wait3A_377 = tpu.memref_slice %arg3[%add3A_357, %dma_wait3A_376] : memref<16384x1024xf32, #tpu.memory_space<hbm>> -> memref<16x1024xf32, #tpu.memory_space<hbm>>
      %dma_wait3A_378 = arith.constant 0 : i32
      %dma_wait3A_379 = arith.constant 512 : i32
      %dma_wait3A_380 = tpu.memref_slice %arg12[%dma_wait3A_371, %dma_wait3A_378, %dma_wait3A_379] : memref<2x16x2560xf32, #tpu.memory_space<vmem>> -> memref<1x16x1024xf32, #tpu.memory_space<vmem>>
      %dma_wait3A_381 = tpu.memref_squeeze %dma_wait3A_380 : memref<1x16x1024xf32, #tpu.memory_space<vmem>> -> memref<16x1024xf32, #tpu.memory_space<vmem>>
      %dma_wait3A_382 = arith.constant 0 : i32
      %dma_wait3A_383 = tpu.memref_slice %arg3[%add3A_357, %dma_wait3A_382] : memref<16384x1024xf32, #tpu.memory_space<hbm>> -> memref<16x1024xf32, #tpu.memory_space<hbm>>
      tpu.wait_dma2 semaphore(%arg15 : memref<!tpu.dma_semaphore, #tpu.memory_space<semaphore_mem>>) src(%dma_wait3A_383 : memref<16x1024xf32, #tpu.memory_space<hbm>>) dst(%dma_wait3A_381 : memref<16x1024xf32, #tpu.memory_space<vmem>>)
      %dma_wait3A_384 = arith.constant 1 : i32
      %dma_wait3A_385 = arith.constant 0 : i32
      %dma_wait3A_386 = arith.constant 1536 : i32
      %dma_wait3A_387 = tpu.memref_slice %arg12[%dma_wait3A_384, %dma_wait3A_385, %dma_wait3A_386] : memref<2x16x2560xf32, #tpu.memory_space<vmem>> -> memref<1x16x1024xf32, #tpu.memory_space<vmem>>
      %dma_wait3A_388 = tpu.memref_squeeze %dma_wait3A_387 : memref<1x16x1024xf32, #tpu.memory_space<vmem>> -> memref<16x1024xf32, #tpu.memory_space<vmem>>
      %dma_wait3A_389 = arith.constant 0 : i32
      %dma_wait3A_390 = tpu.memref_slice %arg4[%add3A_357, %dma_wait3A_389] : memref<16384x1024xf32, #tpu.memory_space<hbm>> -> memref<16x1024xf32, #tpu.memory_space<hbm>>
      %dma_wait3A_391 = arith.constant 0 : i32
      %dma_wait3A_392 = arith.constant 1536 : i32
      %dma_wait3A_393 = tpu.memref_slice %arg12[%dma_wait3A_384, %dma_wait3A_391, %dma_wait3A_392] : memref<2x16x2560xf32, #tpu.memory_space<vmem>> -> memref<1x16x1024xf32, #tpu.memory_space<vmem>>
      %dma_wait3A_394 = tpu.memref_squeeze %dma_wait3A_393 : memref<1x16x1024xf32, #tpu.memory_space<vmem>> -> memref<16x1024xf32, #tpu.memory_space<vmem>>
      %dma_wait3A_395 = arith.constant 0 : i32
      %dma_wait3A_396 = tpu.memref_slice %arg4[%add3A_357, %dma_wait3A_395] : memref<16384x1024xf32, #tpu.memory_space<hbm>> -> memref<16x1024xf32, #tpu.memory_space<hbm>>
      tpu.wait_dma2 semaphore(%arg15 : memref<!tpu.dma_semaphore, #tpu.memory_space<semaphore_mem>>) src(%dma_wait3A_396 : memref<16x1024xf32, #tpu.memory_space<hbm>>) dst(%dma_wait3A_394 : memref<16x1024xf32, #tpu.memory_space<vmem>>)
      %add3A_397 = arith.constant 1 : i32
      %add3A_398 = arith.addi %add3A_354, %add3A_397 : i32
      %lt3A_399 = arith.constant 4 : i32
      %lt3A_400 = arith.cmpi slt, %add3A_398, %lt3A_399 : i32
      %convert_element_type3A_401 = arith.extui %lt3A_400 : i1 to i32
      %cond3A_402 = arith.constant 0 : i32
      %cond3A_403 = arith.cmpi ne, %convert_element_type3A_401, %cond3A_402 : i32
      scf.if %cond3A_403 {
        %add3A_601 = arith.constant 1 : i32
        %add3A_602 = arith.addi %add3A_354, %add3A_601 : i32
        %mul3A_603 = arith.constant 16 : i32
        %mul3A_604 = arith.muli %add3A_602, %mul3A_603 : i32
        %add3A_605 = arith.addi %add3A_4, %mul3A_604 : i32
        %dma_start3A_606 = arith.constant 0 : i32
        %dma_start3A_607 = arith.constant 0 : i32
        %dma_start3A_608 = arith.constant 0 : i32
        %dma_start3A_609 = tpu.memref_slice %arg12[%dma_start3A_606, %dma_start3A_607, %dma_start3A_608] : memref<2x16x2560xf32, #tpu.memory_space<vmem>> -> memref<1x16x512xf32, #tpu.memory_space<vmem>>
        %dma_start3A_610 = tpu.memref_squeeze %dma_start3A_609 : memref<1x16x512xf32, #tpu.memory_space<vmem>> -> memref<16x512xf32, #tpu.memory_space<vmem>>
        %dma_start3A_611 = arith.constant 0 : i32
        %dma_start3A_612 = tpu.memref_slice %arg2[%add3A_605, %dma_start3A_611] : memref<16384x512xf32, #tpu.memory_space<hbm>> -> memref<16x512xf32, #tpu.memory_space<hbm>>
        %dma_start3A_613 = arith.constant 0 : i32
        %dma_start3A_614 = arith.constant 0 : i32
        %dma_start3A_615 = tpu.memref_slice %arg12[%dma_start3A_606, %dma_start3A_613, %dma_start3A_614] : memref<2x16x2560xf32, #tpu.memory_space<vmem>> -> memref<1x16x512xf32, #tpu.memory_space<vmem>>
        %dma_start3A_616 = tpu.memref_squeeze %dma_start3A_615 : memref<1x16x512xf32, #tpu.memory_space<vmem>> -> memref<16x512xf32, #tpu.memory_space<vmem>>
        %dma_start3A_617 = arith.constant 0 : i32
        %dma_start3A_618 = tpu.memref_slice %arg2[%add3A_605, %dma_start3A_617] : memref<16384x512xf32, #tpu.memory_space<hbm>> -> memref<16x512xf32, #tpu.memory_space<hbm>>
        tpu.enqueue_dma source(%dma_start3A_618 : memref<16x512xf32, #tpu.memory_space<hbm>>) target(%dma_start3A_616 : memref<16x512xf32, #tpu.memory_space<vmem>>) target_semaphore(%arg14 : memref<!tpu.dma_semaphore, #tpu.memory_space<semaphore_mem>>)
        %dma_start3A_619 = arith.constant 0 : i32
        %dma_start3A_620 = arith.constant 0 : i32
        %dma_start3A_621 = arith.constant 512 : i32
        %dma_start3A_622 = tpu.memref_slice %arg12[%dma_start3A_619, %dma_start3A_620, %dma_start3A_621] : memref<2x16x2560xf32, #tpu.memory_space<vmem>> -> memref<1x16x1024xf32, #tpu.memory_space<vmem>>
        %dma_start3A_623 = tpu.memref_squeeze %dma_start3A_622 : memref<1x16x1024xf32, #tpu.memory_space<vmem>> -> memref<16x1024xf32, #tpu.memory_space<vmem>>
        %dma_start3A_624 = arith.constant 0 : i32
        %dma_start3A_625 = tpu.memref_slice %arg3[%add3A_605, %dma_start3A_624] : memref<16384x1024xf32, #tpu.memory_space<hbm>> -> memref<16x1024xf32, #tpu.memory_space<hbm>>
        %dma_start3A_626 = arith.constant 0 : i32
        %dma_start3A_627 = arith.constant 512 : i32
        %dma_start3A_628 = tpu.memref_slice %arg12[%dma_start3A_619, %dma_start3A_626, %dma_start3A_627] : memref<2x16x2560xf32, #tpu.memory_space<vmem>> -> memref<1x16x1024xf32, #tpu.memory_space<vmem>>
        %dma_start3A_629 = tpu.memref_squeeze %dma_start3A_628 : memref<1x16x1024xf32, #tpu.memory_space<vmem>> -> memref<16x1024xf32, #tpu.memory_space<vmem>>
        %dma_start3A_630 = arith.constant 0 : i32
        %dma_start3A_631 = tpu.memref_slice %arg3[%add3A_605, %dma_start3A_630] : memref<16384x1024xf32, #tpu.memory_space<hbm>> -> memref<16x1024xf32, #tpu.memory_space<hbm>>
        tpu.enqueue_dma source(%dma_start3A_631 : memref<16x1024xf32, #tpu.memory_space<hbm>>) target(%dma_start3A_629 : memref<16x1024xf32, #tpu.memory_space<vmem>>) target_semaphore(%arg14 : memref<!tpu.dma_semaphore, #tpu.memory_space<semaphore_mem>>)
        %dma_start3A_632 = arith.constant 0 : i32
        %dma_start3A_633 = arith.constant 0 : i32
        %dma_start3A_634 = arith.constant 1536 : i32
        %dma_start3A_635 = tpu.memref_slice %arg12[%dma_start3A_632, %dma_start3A_633, %dma_start3A_634] : memref<2x16x2560xf32, #tpu.memory_space<vmem>> -> memref<1x16x1024xf32, #tpu.memory_space<vmem>>
        %dma_start3A_636 = tpu.memref_squeeze %dma_start3A_635 : memref<1x16x1024xf32, #tpu.memory_space<vmem>> -> memref<16x1024xf32, #tpu.memory_space<vmem>>
        %dma_start3A_637 = arith.constant 0 : i32
        %dma_start3A_638 = tpu.memref_slice %arg4[%add3A_605, %dma_start3A_637] : memref<16384x1024xf32, #tpu.memory_space<hbm>> -> memref<16x1024xf32, #tpu.memory_space<hbm>>
        %dma_start3A_639 = arith.constant 0 : i32
        %dma_start3A_640 = arith.constant 1536 : i32
        %dma_start3A_641 = tpu.memref_slice %arg12[%dma_start3A_632, %dma_start3A_639, %dma_start3A_640] : memref<2x16x2560xf32, #tpu.memory_space<vmem>> -> memref<1x16x1024xf32, #tpu.memory_space<vmem>>
        %dma_start3A_642 = tpu.memref_squeeze %dma_start3A_641 : memref<1x16x1024xf32, #tpu.memory_space<vmem>> -> memref<16x1024xf32, #tpu.memory_space<vmem>>
        %dma_start3A_643 = arith.constant 0 : i32
        %dma_start3A_644 = tpu.memref_slice %arg4[%add3A_605, %dma_start3A_643] : memref<16384x1024xf32, #tpu.memory_space<hbm>> -> memref<16x1024xf32, #tpu.memory_space<hbm>>
        tpu.enqueue_dma source(%dma_start3A_644 : memref<16x1024xf32, #tpu.memory_space<hbm>>) target(%dma_start3A_642 : memref<16x1024xf32, #tpu.memory_space<vmem>>) target_semaphore(%arg14 : memref<!tpu.dma_semaphore, #tpu.memory_space<semaphore_mem>>)
      } else {
      }
      %broadcast_in_dim3A_404 = arith.constant 0.000000e+00 : f32
      %broadcast_in_dim3A_405 = vector.broadcast %broadcast_in_dim3A_404 : f32 to vector<16xf32>
      %broadcast_in_dim3A_406 = arith.constant 0.000000e+00 : f32
      %broadcast_in_dim3A_407 = vector.broadcast %broadcast_in_dim3A_406 : f32 to vector<16xf32>
      %broadcast_in_dim3A_408 = arith.constant 0.000000e+00 : f32
      %broadcast_in_dim3A_409 = vector.broadcast %broadcast_in_dim3A_408 : f32 to vector<16xf32>
      %broadcast_in_dim3A_410 = arith.constant 0.000000e+00 : f32
      %broadcast_in_dim3A_411 = vector.broadcast %broadcast_in_dim3A_410 : f32 to vector<16xf32>
      %broadcast_in_dim3A_412 = arith.constant 0.000000e+00 : f32
      %broadcast_in_dim3A_413 = vector.broadcast %broadcast_in_dim3A_412 : f32 to vector<16xf32>
      %broadcast_in_dim3A_414 = arith.constant 0.000000e+00 : f32
      %broadcast_in_dim3A_415 = vector.broadcast %broadcast_in_dim3A_414 : f32 to vector<16xf32>
      %broadcast_in_dim3A_416 = arith.constant 0.000000e+00 : f32
      %broadcast_in_dim3A_417 = vector.broadcast %broadcast_in_dim3A_416 : f32 to vector<16xf32>
      %broadcast_in_dim3A_418 = arith.constant 0.000000e+00 : f32
      %broadcast_in_dim3A_419 = vector.broadcast %broadcast_in_dim3A_418 : f32 to vector<16xf32>
      %broadcast_in_dim3A_420 = arith.constant 0.000000e+00 : f32
      %broadcast_in_dim3A_421 = vector.broadcast %broadcast_in_dim3A_420 : f32 to vector<16xf32>
      %broadcast_in_dim3A_422 = arith.constant 0.000000e+00 : f32
      %broadcast_in_dim3A_423 = vector.broadcast %broadcast_in_dim3A_422 : f32 to vector<16xf32>
      %broadcast_in_dim3A_424 = arith.constant 0.000000e+00 : f32
      %broadcast_in_dim3A_425 = vector.broadcast %broadcast_in_dim3A_424 : f32 to vector<16xf32>
      %broadcast_in_dim3A_426 = arith.constant 0.000000e+00 : f32
      %broadcast_in_dim3A_427 = vector.broadcast %broadcast_in_dim3A_426 : f32 to vector<16xf32>
      %broadcast_in_dim3A_428 = arith.constant 0.000000e+00 : f32
      %broadcast_in_dim3A_429 = vector.broadcast %broadcast_in_dim3A_428 : f32 to vector<16xf32>
      %broadcast_in_dim3A_430 = arith.constant 0.000000e+00 : f32
      %broadcast_in_dim3A_431 = vector.broadcast %broadcast_in_dim3A_430 : f32 to vector<16xf32>
      %broadcast_in_dim3A_432 = arith.constant 0.000000e+00 : f32
      %broadcast_in_dim3A_433 = vector.broadcast %broadcast_in_dim3A_432 : f32 to vector<16xf32>
      %broadcast_in_dim3A_434 = arith.constant 0.000000e+00 : f32
      %broadcast_in_dim3A_435 = vector.broadcast %broadcast_in_dim3A_434 : f32 to vector<16xf32>
      %scan3A_436 = arith.constant 0 : i32
      %scan3A_437 = arith.constant 160 : i32
      %scan3A_438 = arith.addi %scan3A_436, %scan3A_437 : i32
      %scan3A_439 = arith.constant 1 : i32
      %scan3A_440:16 = scf.for %scan3A_601 = %scan3A_436 to %scan3A_438 step %scan3A_439 iter_args(%scan3A_602 = %broadcast_in_dim3A_405, %scan3A_603 = %broadcast_in_dim3A_407, %scan3A_604 = %broadcast_in_dim3A_409, %scan3A_605 = %broadcast_in_dim3A_411, %scan3A_606 = %broadcast_in_dim3A_413, %scan3A_607 = %broadcast_in_dim3A_415, %scan3A_608 = %broadcast_in_dim3A_417, %scan3A_609 = %broadcast_in_dim3A_419, %scan3A_610 = %broadcast_in_dim3A_421, %scan3A_611 = %broadcast_in_dim3A_423, %scan3A_612 = %broadcast_in_dim3A_425, %scan3A_613 = %broadcast_in_dim3A_427, %scan3A_614 = %broadcast_in_dim3A_429, %scan3A_615 = %broadcast_in_dim3A_431, %scan3A_616 = %broadcast_in_dim3A_433, %scan3A_617 = %broadcast_in_dim3A_435) -> (vector<16xf32>, vector<16xf32>, vector<16xf32>, vector<16xf32>, vector<16xf32>, vector<16xf32>, vector<16xf32>, vector<16xf32>, vector<16xf32>, vector<16xf32>, vector<16xf32>, vector<16xf32>, vector<16xf32>, vector<16xf32>, vector<16xf32>, vector<16xf32>)  : i32 {
        %mul3A_618 = arith.constant 16 : i32
        %mul3A_619 = arith.muli %scan3A_601, %mul3A_618 : i32
        %get3A_620 = arith.index_cast %mul3A_619 : i32 to index
        %get3A_621 = tpu.vector_load %arg10[%get3A_620] {strides = array<i32>} : memref<2560xf32, #tpu.memory_space<vmem>>, vector<16xf32>,
        %get3A_622 = vector.shape_cast %get3A_621 : vector<16xf32> to vector<16xf32>
        %get3A_623 = arith.constant 1 : i32
        %get3A_624 = arith.constant 0 : i32
        %get3A_625 = arith.index_cast %get3A_623 : i32 to index
        %get3A_626 = arith.index_cast %get3A_624 : i32 to index
        %get3A_627 = arith.index_cast %mul3A_619 : i32 to index
        %get3A_628 = tpu.vector_load %arg12[%get3A_625, %get3A_626, %get3A_627] {strides = array<i32>} : memref<2x16x2560xf32, #tpu.memory_space<vmem>>, vector<1x1x16xf32>,
        %get3A_629 = vector.shape_cast %get3A_628 : vector<1x1x16xf32> to vector<16xf32>
        %mul3A_630 = arith.mulf %get3A_629, %get3A_622 : vector<16xf32>
        %add3A_631 = arith.addf %scan3A_602, %mul3A_630 : vector<16xf32>
        %get3A_632 = arith.constant 1 : i32
        %get3A_633 = arith.constant 1 : i32
        %get3A_634 = arith.index_cast %get3A_632 : i32 to index
        %get3A_635 = arith.index_cast %get3A_633 : i32 to index
        %get3A_636 = arith.index_cast %mul3A_619 : i32 to index
        %get3A_637 = tpu.vector_load %arg12[%get3A_634, %get3A_635, %get3A_636] {strides = array<i32>} : memref<2x16x2560xf32, #tpu.memory_space<vmem>>, vector<1x1x16xf32>,
        %get3A_638 = vector.shape_cast %get3A_637 : vector<1x1x16xf32> to vector<16xf32>
        %mul3A_639 = arith.mulf %get3A_638, %get3A_622 : vector<16xf32>
        %add3A_640 = arith.addf %scan3A_603, %mul3A_639 : vector<16xf32>
        %get3A_641 = arith.constant 1 : i32
        %get3A_642 = arith.constant 2 : i32
        %get3A_643 = arith.index_cast %get3A_641 : i32 to index
        %get3A_644 = arith.index_cast %get3A_642 : i32 to index
        %get3A_645 = arith.index_cast %mul3A_619 : i32 to index
        %get3A_646 = tpu.vector_load %arg12[%get3A_643, %get3A_644, %get3A_645] {strides = array<i32>} : memref<2x16x2560xf32, #tpu.memory_space<vmem>>, vector<1x1x16xf32>,
        %get3A_647 = vector.shape_cast %get3A_646 : vector<1x1x16xf32> to vector<16xf32>
        %mul3A_648 = arith.mulf %get3A_647, %get3A_622 : vector<16xf32>
        %add3A_649 = arith.addf %scan3A_604, %mul3A_648 : vector<16xf32>
        %get3A_650 = arith.constant 1 : i32
        %get3A_651 = arith.constant 3 : i32
        %get3A_652 = arith.index_cast %get3A_650 : i32 to index
        %get3A_653 = arith.index_cast %get3A_651 : i32 to index
        %get3A_654 = arith.index_cast %mul3A_619 : i32 to index
        %get3A_655 = tpu.vector_load %arg12[%get3A_652, %get3A_653, %get3A_654] {strides = array<i32>} : memref<2x16x2560xf32, #tpu.memory_space<vmem>>, vector<1x1x16xf32>,
        %get3A_656 = vector.shape_cast %get3A_655 : vector<1x1x16xf32> to vector<16xf32>
        %mul3A_657 = arith.mulf %get3A_656, %get3A_622 : vector<16xf32>
        %add3A_658 = arith.addf %scan3A_605, %mul3A_657 : vector<16xf32>
        %get3A_659 = arith.constant 1 : i32
        %get3A_660 = arith.constant 4 : i32
        %get3A_661 = arith.index_cast %get3A_659 : i32 to index
        %get3A_662 = arith.index_cast %get3A_660 : i32 to index
        %get3A_663 = arith.index_cast %mul3A_619 : i32 to index
        %get3A_664 = tpu.vector_load %arg12[%get3A_661, %get3A_662, %get3A_663] {strides = array<i32>} : memref<2x16x2560xf32, #tpu.memory_space<vmem>>, vector<1x1x16xf32>,
        %get3A_665 = vector.shape_cast %get3A_664 : vector<1x1x16xf32> to vector<16xf32>
        %mul3A_666 = arith.mulf %get3A_665, %get3A_622 : vector<16xf32>
        %add3A_667 = arith.addf %scan3A_606, %mul3A_666 : vector<16xf32>
        %get3A_668 = arith.constant 1 : i32
        %get3A_669 = arith.constant 5 : i32
        %get3A_670 = arith.index_cast %get3A_668 : i32 to index
        %get3A_671 = arith.index_cast %get3A_669 : i32 to index
        %get3A_672 = arith.index_cast %mul3A_619 : i32 to index
        %get3A_673 = tpu.vector_load %arg12[%get3A_670, %get3A_671, %get3A_672] {strides = array<i32>} : memref<2x16x2560xf32, #tpu.memory_space<vmem>>, vector<1x1x16xf32>,
        %get3A_674 = vector.shape_cast %get3A_673 : vector<1x1x16xf32> to vector<16xf32>
        %mul3A_675 = arith.mulf %get3A_674, %get3A_622 : vector<16xf32>
        %add3A_676 = arith.addf %scan3A_607, %mul3A_675 : vector<16xf32>
        %get3A_677 = arith.constant 1 : i32
        %get3A_678 = arith.constant 6 : i32
        %get3A_679 = arith.index_cast %get3A_677 : i32 to index
        %get3A_680 = arith.index_cast %get3A_678 : i32 to index
        %get3A_681 = arith.index_cast %mul3A_619 : i32 to index
        %get3A_682 = tpu.vector_load %arg12[%get3A_679, %get3A_680, %get3A_681] {strides = array<i32>} : memref<2x16x2560xf32, #tpu.memory_space<vmem>>, vector<1x1x16xf32>,
        %get3A_683 = vector.shape_cast %get3A_682 : vector<1x1x16xf32> to vector<16xf32>
        %mul3A_684 = arith.mulf %get3A_683, %get3A_622 : vector<16xf32>
        %add3A_685 = arith.addf %scan3A_608, %mul3A_684 : vector<16xf32>
        %get3A_686 = arith.constant 1 : i32
        %get3A_687 = arith.constant 7 : i32
        %get3A_688 = arith.index_cast %get3A_686 : i32 to index
        %get3A_689 = arith.index_cast %get3A_687 : i32 to index
        %get3A_690 = arith.index_cast %mul3A_619 : i32 to index
        %get3A_691 = tpu.vector_load %arg12[%get3A_688, %get3A_689, %get3A_690] {strides = array<i32>} : memref<2x16x2560xf32, #tpu.memory_space<vmem>>, vector<1x1x16xf32>,
        %get3A_692 = vector.shape_cast %get3A_691 : vector<1x1x16xf32> to vector<16xf32>
        %mul3A_693 = arith.mulf %get3A_692, %get3A_622 : vector<16xf32>
        %add3A_694 = arith.addf %scan3A_609, %mul3A_693 : vector<16xf32>
        %get3A_695 = arith.constant 1 : i32
        %get3A_696 = arith.constant 8 : i32
        %get3A_697 = arith.index_cast %get3A_695 : i32 to index
        %get3A_698 = arith.index_cast %get3A_696 : i32 to index
        %get3A_699 = arith.index_cast %mul3A_619 : i32 to index
        %get3A_700 = tpu.vector_load %arg12[%get3A_697, %get3A_698, %get3A_699] {strides = array<i32>} : memref<2x16x2560xf32, #tpu.memory_space<vmem>>, vector<1x1x16xf32>,
        %get3A_701 = vector.shape_cast %get3A_700 : vector<1x1x16xf32> to vector<16xf32>
        %mul3A_702 = arith.mulf %get3A_701, %get3A_622 : vector<16xf32>
        %add3A_703 = arith.addf %scan3A_610, %mul3A_702 : vector<16xf32>
        %get3A_704 = arith.constant 1 : i32
        %get3A_705 = arith.constant 9 : i32
        %get3A_706 = arith.index_cast %get3A_704 : i32 to index
        %get3A_707 = arith.index_cast %get3A_705 : i32 to index
        %get3A_708 = arith.index_cast %mul3A_619 : i32 to index
        %get3A_709 = tpu.vector_load %arg12[%get3A_706, %get3A_707, %get3A_708] {strides = array<i32>} : memref<2x16x2560xf32, #tpu.memory_space<vmem>>, vector<1x1x16xf32>,
        %get3A_710 = vector.shape_cast %get3A_709 : vector<1x1x16xf32> to vector<16xf32>
        %mul3A_711 = arith.mulf %get3A_710, %get3A_622 : vector<16xf32>
        %add3A_712 = arith.addf %scan3A_611, %mul3A_711 : vector<16xf32>
        %get3A_713 = arith.constant 1 : i32
        %get3A_714 = arith.constant 10 : i32
        %get3A_715 = arith.index_cast %get3A_713 : i32 to index
        %get3A_716 = arith.index_cast %get3A_714 : i32 to index
        %get3A_717 = arith.index_cast %mul3A_619 : i32 to index
        %get3A_718 = tpu.vector_load %arg12[%get3A_715, %get3A_716, %get3A_717] {strides = array<i32>} : memref<2x16x2560xf32, #tpu.memory_space<vmem>>, vector<1x1x16xf32>,
        %get3A_719 = vector.shape_cast %get3A_718 : vector<1x1x16xf32> to vector<16xf32>
        %mul3A_720 = arith.mulf %get3A_719, %get3A_622 : vector<16xf32>
        %add3A_721 = arith.addf %scan3A_612, %mul3A_720 : vector<16xf32>
        %get3A_722 = arith.constant 1 : i32
        %get3A_723 = arith.constant 11 : i32
        %get3A_724 = arith.index_cast %get3A_722 : i32 to index
        %get3A_725 = arith.index_cast %get3A_723 : i32 to index
        %get3A_726 = arith.index_cast %mul3A_619 : i32 to index
        %get3A_727 = tpu.vector_load %arg12[%get3A_724, %get3A_725, %get3A_726] {strides = array<i32>} : memref<2x16x2560xf32, #tpu.memory_space<vmem>>, vector<1x1x16xf32>,
        %get3A_728 = vector.shape_cast %get3A_727 : vector<1x1x16xf32> to vector<16xf32>
        %mul3A_729 = arith.mulf %get3A_728, %get3A_622 : vector<16xf32>
        %add3A_730 = arith.addf %scan3A_613, %mul3A_729 : vector<16xf32>
        %get3A_731 = arith.constant 1 : i32
        %get3A_732 = arith.constant 12 : i32
        %get3A_733 = arith.index_cast %get3A_731 : i32 to index
        %get3A_734 = arith.index_cast %get3A_732 : i32 to index
        %get3A_735 = arith.index_cast %mul3A_619 : i32 to index
        %get3A_736 = tpu.vector_load %arg12[%get3A_733, %get3A_734, %get3A_735] {strides = array<i32>} : memref<2x16x2560xf32, #tpu.memory_space<vmem>>, vector<1x1x16xf32>,
        %get3A_737 = vector.shape_cast %get3A_736 : vector<1x1x16xf32> to vector<16xf32>
        %mul3A_738 = arith.mulf %get3A_737, %get3A_622 : vector<16xf32>
        %add3A_739 = arith.addf %scan3A_614, %mul3A_738 : vector<16xf32>
        %get3A_740 = arith.constant 1 : i32
        %get3A_741 = arith.constant 13 : i32
        %get3A_742 = arith.index_cast %get3A_740 : i32 to index
        %get3A_743 = arith.index_cast %get3A_741 : i32 to index
        %get3A_744 = arith.index_cast %mul3A_619 : i32 to index
        %get3A_745 = tpu.vector_load %arg12[%get3A_742, %get3A_743, %get3A_744] {strides = array<i32>} : memref<2x16x2560xf32, #tpu.memory_space<vmem>>, vector<1x1x16xf32>,
        %get3A_746 = vector.shape_cast %get3A_745 : vector<1x1x16xf32> to vector<16xf32>
        %mul3A_747 = arith.mulf %get3A_746, %get3A_622 : vector<16xf32>
        %add3A_748 = arith.addf %scan3A_615, %mul3A_747 : vector<16xf32>
        %get3A_749 = arith.constant 1 : i32
        %get3A_750 = arith.constant 14 : i32
        %get3A_751 = arith.index_cast %get3A_749 : i32 to index
        %get3A_752 = arith.index_cast %get3A_750 : i32 to index
        %get3A_753 = arith.index_cast %mul3A_619 : i32 to index
        %get3A_754 = tpu.vector_load %arg12[%get3A_751, %get3A_752, %get3A_753] {strides = array<i32>} : memref<2x16x2560xf32, #tpu.memory_space<vmem>>, vector<1x1x16xf32>,
        %get3A_755 = vector.shape_cast %get3A_754 : vector<1x1x16xf32> to vector<16xf32>
        %mul3A_756 = arith.mulf %get3A_755, %get3A_622 : vector<16xf32>
        %add3A_757 = arith.addf %scan3A_616, %mul3A_756 : vector<16xf32>
        %get3A_758 = arith.constant 1 : i32
        %get3A_759 = arith.constant 15 : i32
        %get3A_760 = arith.index_cast %get3A_758 : i32 to index
        %get3A_761 = arith.index_cast %get3A_759 : i32 to index
        %get3A_762 = arith.index_cast %mul3A_619 : i32 to index
        %get3A_763 = tpu.vector_load %arg12[%get3A_760, %get3A_761, %get3A_762] {strides = array<i32>} : memref<2x16x2560xf32, #tpu.memory_space<vmem>>, vector<1x1x16xf32>,
        %get3A_764 = vector.shape_cast %get3A_763 : vector<1x1x16xf32> to vector<16xf32>
        %mul3A_765 = arith.mulf %get3A_764, %get3A_622 : vector<16xf32>
        %add3A_766 = arith.addf %scan3A_617, %mul3A_765 : vector<16xf32>
        scf.yield %add3A_631, %add3A_640, %add3A_649, %add3A_658, %add3A_667, %add3A_676, %add3A_685, %add3A_694, %add3A_703, %add3A_712, %add3A_721, %add3A_730, %add3A_739, %add3A_748, %add3A_757, %add3A_766 : vector<16xf32>, vector<16xf32>, vector<16xf32>, vector<16xf32>, vector<16xf32>, vector<16xf32>, vector<16xf32>, vector<16xf32>, vector<16xf32>, vector<16xf32>, vector<16xf32>, vector<16xf32>, vector<16xf32>, vector<16xf32>, vector<16xf32>, vector<16xf32>
      }
      %scan3A_441 = arith.constant 160 : i32
      %broadcast_in_dim3A_442 = vector.shape_cast %or3A : vector<16xi32> to vector<16x1xi32>
      %gather3A_443 = vector.shape_cast %broadcast_in_dim3A_442 : vector<16x1xi32> to vector<16xi32>
      %gather3A_444 = tpu.dynamic_gather %scan3A_440#0[%gather3A_443] in [0] : vector<16xf32>, vector<16xi32> -> vector<16xf32>
      %add3A_445 = arith.addf %scan3A_440#0, %gather3A_444 : vector<16xf32>
      %broadcast_in_dim3A_446 = vector.shape_cast %or3A : vector<16xi32> to vector<16x1xi32>
      %gather3A_447 = vector.shape_cast %broadcast_in_dim3A_446 : vector<16x1xi32> to vector<16xi32>
      %gather3A_448 = tpu.dynamic_gather %scan3A_440#8[%gather3A_447] in [0] : vector<16xf32>, vector<16xi32> -> vector<16xf32>
      %add3A_449 = arith.addf %scan3A_440#8, %gather3A_448 : vector<16xf32>
      %select_n3A_450 = arith.select %eq3A_19, %add3A_445, %add3A_449 : vector<16xi1>, vector<16xf32>
      %broadcast_in_dim3A_451 = vector.shape_cast %or3A : vector<16xi32> to vector<16x1xi32>
      %gather3A_452 = vector.shape_cast %broadcast_in_dim3A_451 : vector<16x1xi32> to vector<16xi32>
      %gather3A_453 = tpu.dynamic_gather %scan3A_440#1[%gather3A_452] in [0] : vector<16xf32>, vector<16xi32> -> vector<16xf32>
      %add3A_454 = arith.addf %scan3A_440#1, %gather3A_453 : vector<16xf32>
      %broadcast_in_dim3A_455 = vector.shape_cast %or3A : vector<16xi32> to vector<16x1xi32>
      %gather3A_456 = vector.shape_cast %broadcast_in_dim3A_455 : vector<16x1xi32> to vector<16xi32>
      %gather3A_457 = tpu.dynamic_gather %scan3A_440#9[%gather3A_456] in [0] : vector<16xf32>, vector<16xi32> -> vector<16xf32>
      %add3A_458 = arith.addf %scan3A_440#9, %gather3A_457 : vector<16xf32>
      %select_n3A_459 = arith.select %eq3A_19, %add3A_454, %add3A_458 : vector<16xi1>, vector<16xf32>
      %broadcast_in_dim3A_460 = vector.shape_cast %or3A : vector<16xi32> to vector<16x1xi32>
      %gather3A_461 = vector.shape_cast %broadcast_in_dim3A_460 : vector<16x1xi32> to vector<16xi32>
      %gather3A_462 = tpu.dynamic_gather %scan3A_440#2[%gather3A_461] in [0] : vector<16xf32>, vector<16xi32> -> vector<16xf32>
      %add3A_463 = arith.addf %scan3A_440#2, %gather3A_462 : vector<16xf32>
      %broadcast_in_dim3A_464 = vector.shape_cast %or3A : vector<16xi32> to vector<16x1xi32>
      %gather3A_465 = vector.shape_cast %broadcast_in_dim3A_464 : vector<16x1xi32> to vector<16xi32>
      %gather3A_466 = tpu.dynamic_gather %scan3A_440#10[%gather3A_465] in [0] : vector<16xf32>, vector<16xi32> -> vector<16xf32>
      %add3A_467 = arith.addf %scan3A_440#10, %gather3A_466 : vector<16xf32>
      %select_n3A_468 = arith.select %eq3A_19, %add3A_463, %add3A_467 : vector<16xi1>, vector<16xf32>
      %broadcast_in_dim3A_469 = vector.shape_cast %or3A : vector<16xi32> to vector<16x1xi32>
      %gather3A_470 = vector.shape_cast %broadcast_in_dim3A_469 : vector<16x1xi32> to vector<16xi32>
      %gather3A_471 = tpu.dynamic_gather %scan3A_440#3[%gather3A_470] in [0] : vector<16xf32>, vector<16xi32> -> vector<16xf32>
      %add3A_472 = arith.addf %scan3A_440#3, %gather3A_471 : vector<16xf32>
      %broadcast_in_dim3A_473 = vector.shape_cast %or3A : vector<16xi32> to vector<16x1xi32>
      %gather3A_474 = vector.shape_cast %broadcast_in_dim3A_473 : vector<16x1xi32> to vector<16xi32>
      %gather3A_475 = tpu.dynamic_gather %scan3A_440#11[%gather3A_474] in [0] : vector<16xf32>, vector<16xi32> -> vector<16xf32>
      %add3A_476 = arith.addf %scan3A_440#11, %gather3A_475 : vector<16xf32>
      %select_n3A_477 = arith.select %eq3A_19, %add3A_472, %add3A_476 : vector<16xi1>, vector<16xf32>
      %broadcast_in_dim3A_478 = vector.shape_cast %or3A : vector<16xi32> to vector<16x1xi32>
      %gather3A_479 = vector.shape_cast %broadcast_in_dim3A_478 : vector<16x1xi32> to vector<16xi32>
      %gather3A_480 = tpu.dynamic_gather %scan3A_440#4[%gather3A_479] in [0] : vector<16xf32>, vector<16xi32> -> vector<16xf32>
      %add3A_481 = arith.addf %scan3A_440#4, %gather3A_480 : vector<16xf32>
      %broadcast_in_dim3A_482 = vector.shape_cast %or3A : vector<16xi32> to vector<16x1xi32>
      %gather3A_483 = vector.shape_cast %broadcast_in_dim3A_482 : vector<16x1xi32> to vector<16xi32>
      %gather3A_484 = tpu.dynamic_gather %scan3A_440#12[%gather3A_483] in [0] : vector<16xf32>, vector<16xi32> -> vector<16xf32>
      %add3A_485 = arith.addf %scan3A_440#12, %gather3A_484 : vector<16xf32>
      %select_n3A_486 = arith.select %eq3A_19, %add3A_481, %add3A_485 : vector<16xi1>, vector<16xf32>
      %broadcast_in_dim3A_487 = vector.shape_cast %or3A : vector<16xi32> to vector<16x1xi32>
      %gather3A_488 = vector.shape_cast %broadcast_in_dim3A_487 : vector<16x1xi32> to vector<16xi32>
      %gather3A_489 = tpu.dynamic_gather %scan3A_440#5[%gather3A_488] in [0] : vector<16xf32>, vector<16xi32> -> vector<16xf32>
      %add3A_490 = arith.addf %scan3A_440#5, %gather3A_489 : vector<16xf32>
      %broadcast_in_dim3A_491 = vector.shape_cast %or3A : vector<16xi32> to vector<16x1xi32>
      %gather3A_492 = vector.shape_cast %broadcast_in_dim3A_491 : vector<16x1xi32> to vector<16xi32>
      %gather3A_493 = tpu.dynamic_gather %scan3A_440#13[%gather3A_492] in [0] : vector<16xf32>, vector<16xi32> -> vector<16xf32>
      %add3A_494 = arith.addf %scan3A_440#13, %gather3A_493 : vector<16xf32>
      %select_n3A_495 = arith.select %eq3A_19, %add3A_490, %add3A_494 : vector<16xi1>, vector<16xf32>
      %broadcast_in_dim3A_496 = vector.shape_cast %or3A : vector<16xi32> to vector<16x1xi32>
      %gather3A_497 = vector.shape_cast %broadcast_in_dim3A_496 : vector<16x1xi32> to vector<16xi32>
      %gather3A_498 = tpu.dynamic_gather %scan3A_440#6[%gather3A_497] in [0] : vector<16xf32>, vector<16xi32> -> vector<16xf32>
      %add3A_499 = arith.addf %scan3A_440#6, %gather3A_498 : vector<16xf32>
      %broadcast_in_dim3A_500 = vector.shape_cast %or3A : vector<16xi32> to vector<16x1xi32>
      %gather3A_501 = vector.shape_cast %broadcast_in_dim3A_500 : vector<16x1xi32> to vector<16xi32>
      %gather3A_502 = tpu.dynamic_gather %scan3A_440#14[%gather3A_501] in [0] : vector<16xf32>, vector<16xi32> -> vector<16xf32>
      %add3A_503 = arith.addf %scan3A_440#14, %gather3A_502 : vector<16xf32>
      %select_n3A_504 = arith.select %eq3A_19, %add3A_499, %add3A_503 : vector<16xi1>, vector<16xf32>
      %broadcast_in_dim3A_505 = vector.shape_cast %or3A : vector<16xi32> to vector<16x1xi32>
      %gather3A_506 = vector.shape_cast %broadcast_in_dim3A_505 : vector<16x1xi32> to vector<16xi32>
      %gather3A_507 = tpu.dynamic_gather %scan3A_440#7[%gather3A_506] in [0] : vector<16xf32>, vector<16xi32> -> vector<16xf32>
      %add3A_508 = arith.addf %scan3A_440#7, %gather3A_507 : vector<16xf32>
      %broadcast_in_dim3A_509 = vector.shape_cast %or3A : vector<16xi32> to vector<16x1xi32>
      %gather3A_510 = vector.shape_cast %broadcast_in_dim3A_509 : vector<16x1xi32> to vector<16xi32>
      %gather3A_511 = tpu.dynamic_gather %scan3A_440#15[%gather3A_510] in [0] : vector<16xf32>, vector<16xi32> -> vector<16xf32>
      %add3A_512 = arith.addf %scan3A_440#15, %gather3A_511 : vector<16xf32>
      %select_n3A_513 = arith.select %eq3A_19, %add3A_508, %add3A_512 : vector<16xi1>, vector<16xf32>
      %broadcast_in_dim3A_514 = vector.shape_cast %or3A_29 : vector<16xi32> to vector<16x1xi32>
      %gather3A_515 = vector.shape_cast %broadcast_in_dim3A_514 : vector<16x1xi32> to vector<16xi32>
      %gather3A_516 = tpu.dynamic_gather %select_n3A_450[%gather3A_515] in [0] : vector<16xf32>, vector<16xi32> -> vector<16xf32>
      %add3A_517 = arith.addf %select_n3A_450, %gather3A_516 : vector<16xf32>
      %broadcast_in_dim3A_518 = vector.shape_cast %or3A_29 : vector<16xi32> to vector<16x1xi32>
      %gather3A_519 = vector.shape_cast %broadcast_in_dim3A_518 : vector<16x1xi32> to vector<16xi32>
      %gather3A_520 = tpu.dynamic_gather %select_n3A_486[%gather3A_519] in [0] : vector<16xf32>, vector<16xi32> -> vector<16xf32>
      %add3A_521 = arith.addf %select_n3A_486, %gather3A_520 : vector<16xf32>
      %select_n3A_522 = arith.select %eq3A_35, %add3A_517, %add3A_521 : vector<16xi1>, vector<16xf32>
      %broadcast_in_dim3A_523 = vector.shape_cast %or3A_29 : vector<16xi32> to vector<16x1xi32>
      %gather3A_524 = vector.shape_cast %broadcast_in_dim3A_523 : vector<16x1xi32> to vector<16xi32>
      %gather3A_525 = tpu.dynamic_gather %select_n3A_459[%gather3A_524] in [0] : vector<16xf32>, vector<16xi32> -> vector<16xf32>
      %add3A_526 = arith.addf %select_n3A_459, %gather3A_525 : vector<16xf32>
      %broadcast_in_dim3A_527 = vector.shape_cast %or3A_29 : vector<16xi32> to vector<16x1xi32>
      %gather3A_528 = vector.shape_cast %broadcast_in_dim3A_527 : vector<16x1xi32> to vector<16xi32>
      %gather3A_529 = tpu.dynamic_gather %select_n3A_495[%gather3A_528] in [0] : vector<16xf32>, vector<16xi32> -> vector<16xf32>
      %add3A_530 = arith.addf %select_n3A_495, %gather3A_529 : vector<16xf32>
      %select_n3A_531 = arith.select %eq3A_35, %add3A_526, %add3A_530 : vector<16xi1>, vector<16xf32>
      %broadcast_in_dim3A_532 = vector.shape_cast %or3A_29 : vector<16xi32> to vector<16x1xi32>
      %gather3A_533 = vector.shape_cast %broadcast_in_dim3A_532 : vector<16x1xi32> to vector<16xi32>
      %gather3A_534 = tpu.dynamic_gather %select_n3A_468[%gather3A_533] in [0] : vector<16xf32>, vector<16xi32> -> vector<16xf32>
      %add3A_535 = arith.addf %select_n3A_468, %gather3A_534 : vector<16xf32>
      %broadcast_in_dim3A_536 = vector.shape_cast %or3A_29 : vector<16xi32> to vector<16x1xi32>
      %gather3A_537 = vector.shape_cast %broadcast_in_dim3A_536 : vector<16x1xi32> to vector<16xi32>
      %gather3A_538 = tpu.dynamic_gather %select_n3A_504[%gather3A_537] in [0] : vector<16xf32>, vector<16xi32> -> vector<16xf32>
      %add3A_539 = arith.addf %select_n3A_504, %gather3A_538 : vector<16xf32>
      %select_n3A_540 = arith.select %eq3A_35, %add3A_535, %add3A_539 : vector<16xi1>, vector<16xf32>
      %broadcast_in_dim3A_541 = vector.shape_cast %or3A_29 : vector<16xi32> to vector<16x1xi32>
      %gather3A_542 = vector.shape_cast %broadcast_in_dim3A_541 : vector<16x1xi32> to vector<16xi32>
      %gather3A_543 = tpu.dynamic_gather %select_n3A_477[%gather3A_542] in [0] : vector<16xf32>, vector<16xi32> -> vector<16xf32>
      %add3A_544 = arith.addf %select_n3A_477, %gather3A_543 : vector<16xf32>
      %broadcast_in_dim3A_545 = vector.shape_cast %or3A_29 : vector<16xi32> to vector<16x1xi32>
      %gather3A_546 = vector.shape_cast %broadcast_in_dim3A_545 : vector<16x1xi32> to vector<16xi32>
      %gather3A_547 = tpu.dynamic_gather %select_n3A_513[%gather3A_546] in [0] : vector<16xf32>, vector<16xi32> -> vector<16xf32>
      %add3A_548 = arith.addf %select_n3A_513, %gather3A_547 : vector<16xf32>
      %select_n3A_549 = arith.select %eq3A_35, %add3A_544, %add3A_548 : vector<16xi1>, vector<16xf32>
      %broadcast_in_dim3A_550 = vector.shape_cast %or3A_45 : vector<16xi32> to vector<16x1xi32>
      %gather3A_551 = vector.shape_cast %broadcast_in_dim3A_550 : vector<16x1xi32> to vector<16xi32>
      %gather3A_552 = tpu.dynamic_gather %select_n3A_522[%gather3A_551] in [0] : vector<16xf32>, vector<16xi32> -> vector<16xf32>
      %add3A_553 = arith.addf %select_n3A_522, %gather3A_552 : vector<16xf32>
      %broadcast_in_dim3A_554 = vector.shape_cast %or3A_45 : vector<16xi32> to vector<16x1xi32>
      %gather3A_555 = vector.shape_cast %broadcast_in_dim3A_554 : vector<16x1xi32> to vector<16xi32>
      %gather3A_556 = tpu.dynamic_gather %select_n3A_540[%gather3A_555] in [0] : vector<16xf32>, vector<16xi32> -> vector<16xf32>
      %add3A_557 = arith.addf %select_n3A_540, %gather3A_556 : vector<16xf32>
      %select_n3A_558 = arith.select %eq3A_51, %add3A_553, %add3A_557 : vector<16xi1>, vector<16xf32>
      %broadcast_in_dim3A_559 = vector.shape_cast %or3A_45 : vector<16xi32> to vector<16x1xi32>
      %gather3A_560 = vector.shape_cast %broadcast_in_dim3A_559 : vector<16x1xi32> to vector<16xi32>
      %gather3A_561 = tpu.dynamic_gather %select_n3A_531[%gather3A_560] in [0] : vector<16xf32>, vector<16xi32> -> vector<16xf32>
      %add3A_562 = arith.addf %select_n3A_531, %gather3A_561 : vector<16xf32>
      %broadcast_in_dim3A_563 = vector.shape_cast %or3A_45 : vector<16xi32> to vector<16x1xi32>
      %gather3A_564 = vector.shape_cast %broadcast_in_dim3A_563 : vector<16x1xi32> to vector<16xi32>
      %gather3A_565 = tpu.dynamic_gather %select_n3A_549[%gather3A_564] in [0] : vector<16xf32>, vector<16xi32> -> vector<16xf32>
      %add3A_566 = arith.addf %select_n3A_549, %gather3A_565 : vector<16xf32>
      %select_n3A_567 = arith.select %eq3A_51, %add3A_562, %add3A_566 : vector<16xi1>, vector<16xf32>
      %broadcast_in_dim3A_568 = vector.shape_cast %or3A_61 : vector<16xi32> to vector<16x1xi32>
      %gather3A_569 = vector.shape_cast %broadcast_in_dim3A_568 : vector<16x1xi32> to vector<16xi32>
      %gather3A_570 = tpu.dynamic_gather %select_n3A_558[%gather3A_569] in [0] : vector<16xf32>, vector<16xi32> -> vector<16xf32>
      %add3A_571 = arith.addf %select_n3A_558, %gather3A_570 : vector<16xf32>
      %broadcast_in_dim3A_572 = vector.shape_cast %or3A_61 : vector<16xi32> to vector<16x1xi32>
      %gather3A_573 = vector.shape_cast %broadcast_in_dim3A_572 : vector<16x1xi32> to vector<16xi32>
      %gather3A_574 = tpu.dynamic_gather %select_n3A_567[%gather3A_573] in [0] : vector<16xf32>, vector<16xi32> -> vector<16xf32>
      %add3A_575 = arith.addf %select_n3A_567, %gather3A_574 : vector<16xf32>
      %select_n3A_576 = arith.select %eq3A_67, %add3A_571, %add3A_575 : vector<16xi1>, vector<16xf32>
      %get3A_577 = arith.constant 0 : index
      %get3A_578 = tpu.vector_load %arg11[%get3A_577] {strides = array<i32>} : memref<16xf32, #tpu.memory_space<vmem>>, vector<16xf32>,
      %get3A_579 = vector.shape_cast %get3A_578 : vector<16xf32> to vector<16xf32>
      %slice3A_580 = vector.extract_strided_slice %get3A_579 {offsets = [0], sizes = [1], strides = [1]} : vector<16xf32> to vector<1xf32>
      %squeeze3A_581 = vector.extract %slice3A_580[0] : f32 from vector<1xf32>
      %add3A_582 = vector.broadcast %squeeze3A_581 : f32 to vector<16xf32>
      %add3A_583 = arith.addf %select_n3A_576, %add3A_582 : vector<16xf32>
      %neg3A_584 = arith.constant 0.000000e+00 : f32
      %neg3A_585 = vector.broadcast %neg3A_584 : f32 to vector<16xf32>
      %neg3A_586 = arith.subf %neg3A_585, %add3A_583 : vector<16xf32>
      %exp3A_587 = math.exp %neg3A_586 : vector<16xf32>
      %add3A_588 = arith.constant 1.000000e+00 : f32
      %add3A_589 = vector.broadcast %add3A_588 : f32 to vector<16xf32>
      %add3A_590 = arith.addf %add3A_589, %exp3A_587 : vector<16xf32>
      %div3A_591 = arith.constant 1.000000e+00 : f32
      %div3A_592 = vector.broadcast %div3A_591 : f32 to vector<16xf32>
      %div3A_593 = arith.divf %div3A_592, %add3A_590 : vector<16xf32>
      %mul3A_594 = arith.constant 16 : i32
      %mul3A_595 = arith.muli %add3A_354, %mul3A_594 : i32
      %swap3A_596 = arith.index_cast %mul3A_595 : i32 to index
      %swap3A_597 = tpu.vector_load %arg13[%swap3A_596] {strides = array<i32>} : memref<64xf32, #tpu.memory_space<vmem>>, vector<16xf32>,
      %swap3A_598 = vector.shape_cast %swap3A_597 : vector<16xf32> to vector<16xf32>
      %swap3A_599 = vector.shape_cast %div3A_593 : vector<16xf32> to vector<16xf32>
      tpu.vector_store %arg13[%swap3A_596], %swap3A_599 {strides = array<i32>} : memref<64xf32, #tpu.memory_space<vmem>>, vector<16xf32>,
      %scan3A_600 = arith.constant 0 : i32
      scf.yield %scan3A_600 : i32
    }
    %scan3A_113 = arith.constant 2 : i32
    "tpu.region"() ({
      %run_scoped3A_114 = tpu.sem_alloc : memref<!tpu.dma_semaphore, #tpu.memory_space<semaphore_mem>>
      %dma_start3A_115 = tpu.memref_slice %arg9[%mul3A_2] : memref<2048xf32, #tpu.memory_space<hbm>> -> memref<64xf32, #tpu.memory_space<hbm>>
      %dma_start3A_116 = tpu.memref_slice %arg9[%mul3A_2] : memref<2048xf32, #tpu.memory_space<hbm>> -> memref<64xf32, #tpu.memory_space<hbm>>
      tpu.enqueue_dma source(%arg13 : memref<64xf32, #tpu.memory_space<vmem>>) target(%dma_start3A_116 : memref<64xf32, #tpu.memory_space<hbm>>) target_semaphore(%run_scoped3A_114 : memref<!tpu.dma_semaphore, #tpu.memory_space<semaphore_mem>>)
      %dma_wait3A = tpu.memref_slice %arg9[%mul3A_2] : memref<2048xf32, #tpu.memory_space<hbm>> -> memref<64xf32, #tpu.memory_space<hbm>>
      %dma_wait3A_117 = tpu.memref_slice %arg9[%mul3A_2] : memref<2048xf32, #tpu.memory_space<hbm>> -> memref<64xf32, #tpu.memory_space<hbm>>
      tpu.wait_dma2 semaphore(%run_scoped3A_114 : memref<!tpu.dma_semaphore, #tpu.memory_space<semaphore_mem>>) src(%arg13 : memref<64xf32, #tpu.memory_space<vmem>>) dst(%dma_wait3A_117 : memref<64xf32, #tpu.memory_space<hbm>>)
      tpu.yield
    }) : () -> ()
    return
  }
}

module attributes {stable_mosaic.version = 14 : i64} {
  func.func @_tc_body(%arg0: i32, %arg1: memref<1024x512xf32, #tpu.memory_space<vmem>>, %arg2: memref<1024x1024xf32, #tpu.memory_space<vmem>>, %arg3: memref<1024x1024xf32, #tpu.memory_space<vmem>>, %arg4: memref<1x512xf32, #tpu.memory_space<vmem>>, %arg5: memref<1x1024xf32, #tpu.memory_space<vmem>>, %arg6: memref<1x1024xf32, #tpu.memory_space<vmem>>, %arg7: memref<1xf32, #tpu.memory_space<smem>>, %arg8: memref<1024xf32, #tpu.memory_space<vmem>>) attributes {dimension_semantics = [#tpu.dimension_semantics<arbitrary>], iteration_bounds = array<i64: 14>, scalar_prefetch = 0 : i64, scratch_operands = 0 : i64, tpu.core_type = #tpu.core_type<tc>, window_params = [{transform_indices = @transform_0, window_bounds = array<i64: 1024, 512>}, {transform_indices = @transform_1, window_bounds = array<i64: 1024, 1024>}, {transform_indices = @transform_2, window_bounds = array<i64: 1024, 1024>}, {pipeline_mode = #tpu.pipeline_mode<synchronous>, transform_indices = @transform_3, window_bounds = array<i64: 1, 512>}, {pipeline_mode = #tpu.pipeline_mode<synchronous>, transform_indices = @transform_4, window_bounds = array<i64: 1, 1024>}, {pipeline_mode = #tpu.pipeline_mode<synchronous>, transform_indices = @transform_5, window_bounds = array<i64: 1, 1024>}, {transform_indices = @transform_6, window_bounds = array<i64: 1>}, {transform_indices = @transform_7, window_bounds = array<i64: 1024>}]} {
    %get3A = arith.constant 0 : index
    %get3A_0 = arith.constant 0 : index
    %get3A_1 = vector.load %arg1[%get3A, %get3A_0] : memref<1024x512xf32, #tpu.memory_space<vmem>>, vector<1024x512xf32>
    %get3A_2 = arith.constant 0 : index
    %get3A_3 = arith.constant 0 : index
    %get3A_4 = vector.load %arg4[%get3A_2, %get3A_3] : memref<1x512xf32, #tpu.memory_space<vmem>>, vector<1x512xf32>
    %mul3A = vector.broadcast %get3A_4 : vector<1x512xf32> to vector<1024x512xf32>
    %mul3A_5 = arith.mulf %get3A_1, %mul3A : vector<1024x512xf32>
    %reduce_sum3A = arith.constant dense<0.000000e+00> : vector<1024xf32>
    %reduce_sum3A_6 = vector.multi_reduction <add>, %mul3A_5, %reduce_sum3A [1] : vector<1024x512xf32> to vector<1024xf32>
    %get3A_7 = arith.constant 0 : index
    %get3A_8 = arith.constant 0 : index
    %get3A_9 = vector.load %arg2[%get3A_7, %get3A_8] : memref<1024x1024xf32, #tpu.memory_space<vmem>>, vector<1024x1024xf32>
    %get3A_10 = arith.constant 0 : index
    %get3A_11 = arith.constant 0 : index
    %get3A_12 = vector.load %arg5[%get3A_10, %get3A_11] : memref<1x1024xf32, #tpu.memory_space<vmem>>, vector<1x1024xf32>
    %mul3A_13 = vector.broadcast %get3A_12 : vector<1x1024xf32> to vector<1024x1024xf32>
    %mul3A_14 = arith.mulf %get3A_9, %mul3A_13 : vector<1024x1024xf32>
    %reduce_sum3A_15 = arith.constant dense<0.000000e+00> : vector<1024xf32>
    %reduce_sum3A_16 = vector.multi_reduction <add>, %mul3A_14, %reduce_sum3A_15 [1] : vector<1024x1024xf32> to vector<1024xf32>
    %add3A = arith.addf %reduce_sum3A_6, %reduce_sum3A_16 : vector<1024xf32>
    %get3A_17 = arith.constant 0 : index
    %get3A_18 = arith.constant 0 : index
    %get3A_19 = vector.load %arg3[%get3A_17, %get3A_18] : memref<1024x1024xf32, #tpu.memory_space<vmem>>, vector<1024x1024xf32>
    %get3A_20 = arith.constant 0 : index
    %get3A_21 = arith.constant 0 : index
    %get3A_22 = vector.load %arg6[%get3A_20, %get3A_21] : memref<1x1024xf32, #tpu.memory_space<vmem>>, vector<1x1024xf32>
    %mul3A_23 = vector.broadcast %get3A_22 : vector<1x1024xf32> to vector<1024x1024xf32>
    %mul3A_24 = arith.mulf %get3A_19, %mul3A_23 : vector<1024x1024xf32>
    %reduce_sum3A_25 = arith.constant dense<0.000000e+00> : vector<1024xf32>
    %reduce_sum3A_26 = vector.multi_reduction <add>, %mul3A_24, %reduce_sum3A_25 [1] : vector<1024x1024xf32> to vector<1024xf32>
    %add3A_27 = arith.addf %add3A, %reduce_sum3A_26 : vector<1024xf32>
    %get3A_28 = arith.constant 0 : index
    %get3A_29 = memref.load %arg7[%get3A_28] : memref<1xf32, #tpu.memory_space<smem>>
    %add3A_30 = vector.broadcast %get3A_29 : f32 to vector<1024xf32>
    %add3A_31 = arith.addf %add3A_27, %add3A_30 : vector<1024xf32>
    %logistic3A = arith.negf %add3A_31 : vector<1024xf32>
    %logistic3A_32 = math.exp %logistic3A : vector<1024xf32>
    %logistic3A_33 = arith.constant 1.000000e+00 : f32
    %logistic3A_34 = vector.broadcast %logistic3A_33 : f32 to vector<1024xf32>
    %logistic3A_35 = arith.addf %logistic3A_34, %logistic3A_32 : vector<1024xf32>
    %logistic3A_36 = arith.divf %logistic3A_34, %logistic3A_35 : vector<1024xf32>
    %swap3A = arith.constant 0 : index
    %swap3A_37 = vector.load %arg8[%swap3A] : memref<1024xf32, #tpu.memory_space<vmem>>, vector<1024xf32>
    tpu.vector_store %arg8[%swap3A], %logistic3A_36 {strides = array<i32>} : memref<1024xf32, #tpu.memory_space<vmem>>, vector<1024xf32>,
    return
  }
  func.func @transform_0(%arg0: i32) -> (i32, i32) {
    %c0_i32 = arith.constant 0 : i32
    %c0_i32_0 = arith.constant 0 : i32
    return %arg0, %c0_i32 : i32, i32
  }
  func.func @transform_1(%arg0: i32) -> (i32, i32) {
    %c0_i32 = arith.constant 0 : i32
    %c0_i32_0 = arith.constant 0 : i32
    return %arg0, %c0_i32 : i32, i32
  }
  func.func @transform_2(%arg0: i32) -> (i32, i32) {
    %c0_i32 = arith.constant 0 : i32
    %c0_i32_0 = arith.constant 0 : i32
    return %arg0, %c0_i32 : i32, i32
  }
  func.func @transform_3(%arg0: i32) -> (i32, i32) {
    %c0_i32 = arith.constant 0 : i32
    %c0_i32_0 = arith.constant 0 : i32
    %c0_i32_1 = arith.constant 0 : i32
    return %c0_i32, %c0_i32_0 : i32, i32
  }
  func.func @transform_4(%arg0: i32) -> (i32, i32) {
    %c0_i32 = arith.constant 0 : i32
    %c0_i32_0 = arith.constant 0 : i32
    %c0_i32_1 = arith.constant 0 : i32
    return %c0_i32, %c0_i32_0 : i32, i32
  }
  func.func @transform_5(%arg0: i32) -> (i32, i32) {
    %c0_i32 = arith.constant 0 : i32
    %c0_i32_0 = arith.constant 0 : i32
    %c0_i32_1 = arith.constant 0 : i32
    return %c0_i32, %c0_i32_0 : i32, i32
  }
  func.func @transform_6(%arg0: i32) -> i32 {
    %c0_i32 = arith.constant 0 : i32
    %c0_i32_0 = arith.constant 0 : i32
    return %c0_i32 : i32
  }
  func.func @transform_7(%arg0: i32) -> i32 {
    %c0_i32 = arith.constant 0 : i32
    return %arg0 : i32
  }
}

</mosaic_0001>

<sc_bundles>
// kernel: kernel.4.cloned.1.call-start
scs
__scs_entry_jumppad:
0x0: {  	(pc) =	sbr.rel $0x88, $3  }
0x1: {  	(tag) =	ssettag $0x0;
	lr =	simm.s32 $0x1  }
0x2: {  	[smem:$0x3F9A] =	sst lr;
	_ =	strace $0xD0000000  }
0x3: {  	_ = 	snop  }
0x4: {  	_ = 	snop  }
0x5: {  	_ = 	snop  }
0x6: {  	_ = 	snop  }
0x7: {  	_ = 	snop  }
__scs_overlays_trampoline_lowered:
0x8: {  	[smem:$0x3FA9] =	sst s0  }
0x9: {  	[smem:$0x3FAA] =	sst s1  }
0xa: {  	[smem:$0x3FAB] =	sst s2  }
0xb: {  	[smem:$0x3FAC] =	sst s3  }
0xc: {  	[smem:$0x3FAD] =	sst s4  }
0xd: {  	[smem:$0x3FAE] =	sst s5  }
0xe: {  	[smem:$0x3FAF] =	sst s6  }
0xf: {  	[smem:$0x3FB0] =	sst s7  }
0x10: {  	[smem:$0x3FB1] =	sst s8  }
0x11: {  	[smem:$0x3FB2] =	sst s9;
	s0 =	simm.s32 @!p0 $0x0  }
0x12: {  	s1 =	sld [smem:$0x3F98];
	s0 =	simm.s32 @p0 $0x1  }
0x13: {  	[smem:$0x3FB3] =	sst s0;
	s0 =	simm.s32 @!p1 $0x0  }
0x14: {  	s2 =	sld [smem:$0x3F97];
	s0 =	simm.s32 @p1 $0x1  }
0x15: {  	[smem:$0x3FB4] =	sst s0;
	s0 =	simm.s32 @!p2 $0x0  }
0x16: {  	s3 =	sld [smem:$0x3FDB];
	s0 =	simm.s32 @p2 $0x1  }
0x17: {  	s4 =	simm.s32 $0x1BF5;
	[smem:$0x3FB6] =	sst s0  }
0x18: {  	s0 =	sld [smem:$0x3F99];
	_ =	swait.ge [sflag:s4], $0x0  }
0x19: {  	s7 =	sld [smem:$0x3F9A]  }
0x1a: {  	s8 =	sadd.s32 $0xFFFFE003, lr  }
0x1b: {  	s9 =	sadd.s32 $0xFFFFFEF7, lr;
	s5 =	simm.s32 $0xFFFFFFFF;
	p2 =	slt.u32 s8, $0xFFFFF086  }
0x1c: {  	p1 =	slt.u32 s9, $0xF7A;
	s5 =	simm.s32 @!p2 $0x0  }
0x1d: {  	s5 =	simm.s32 @p1 $0x1;
	p0 =	seq.s32 s7, s2  }
0x1e: {  	s7 =	smul.u32 @!p0 $0xF7A, s2;
	p2 =	seq.s32 @!p0 s5, $0x0  }
0x1f: {  	s9 =	smul.u32 $0xF7A, s1;
	s8 =	simm.s32 @!p0 $0x1BF5;
	p2 =	por !p2, p0  }
0x20: {  	[sflag:s8] =	ssyncset.s32 @!p0 $0xFFFFF086;
	s6 =	sadd.s32 @!p0 s3, s7;
	s7 =	simm.s32 @!p0 $0x108  }
0x21: {  	s3 =	sadd.s32 s3, s9;
	s6 =	sadd.s32 @!p0 $0x88, s6;
	s7 =	simm.s32 @p2 $0x1082  }
0x22: {  	[simem:s7], [sflag:s8] =	dma.local @!p0 [hbm:s6], $0xF7A  }
0x23: {  	s9 =	sor.u32 $0xD0000000, s2;
	s6 =	simm.s32 $0x108;
	_ =	swait.ge @!p0 [sflag:s8], $0x0  }
0x24: {  	s3 =	sadd.s32 $0x88, s3;
	s6 =	simm.s32 @!p1 $0x1082;
	[sflag:s4] =	ssyncset.s32 $0xFFFFF086  }
0x25: {  	[simem:s6], [sflag:s4] =	dma.local [hbm:s3], $0xF7A  }
0x26: {  	[smem:$0x3F9A] =	sst s1;
	(tag) =	ssettag s2;
	_ =	strace s9  }
0x27: {  	s1 =	sld [smem:$0x3FAA]  }
0x28: {  	s2 =	sld [smem:$0x3FAB]  }
0x29: {  	s4 =	sld [smem:$0x3FAD]  }
0x2a: {  	p0 =	seq.s32 s5, $0x0;
	s5 =	sld [smem:$0x3FAE]  }
0x2b: {  	s6 =	sld [smem:$0x3FAF]  }
0x2c: {  	s7 =	sld [smem:$0x3FB0]  }
0x2d: {  	s3 =	simm.s32 $0x108;
	s8 =	sld [smem:$0x3FB1]  }
0x2e: {  	s3 =	simm.s32 @!p0 $0x1082;
	s9 =	sld [smem:$0x3FB2]  }
0x2f: {  	lr =	sadd.s32 s0, s3;
	s0 =	sld [smem:$0x3FA9]  }
0x30: {  	s3 =	sld [smem:$0x3FAC]  }
0x31: {  	[smem:$0x3FB5] =	sst s10  }
0x32: {  	s10 =	sld [smem:$0x3FB3];
	_ =	sdelay $0x3  }
0x33: {  	p0 =	seq.s32 s10, $0x1;
	s10 =	sld [smem:$0x3FB5];
	_ =	sdelay $0x3  }
0x34: {  	[smem:$0x3FB5] =	sst s10  }
0x35: {  	s10 =	sld [smem:$0x3FB4];
	_ =	sdelay $0x3  }
0x36: {  	p1 =	seq.s32 s10, $0x1;
	s10 =	sld [smem:$0x3FB5];
	_ =	sdelay $0x3  }
0x37: {  	[smem:$0x3FB5] =	sst s10  }
0x38: {  	s10 =	sld [smem:$0x3FB6]  }
0x39: {  	_ = 	snop;
	(pc) =	sbr.ind lr, $3  }
0x3a: {  	_ = 	snop  }
0x3b: {  	_ = 	snop  }
0x3c: {  	p2 =	seq.s32 s10, $0x1;
	s10 =	sld [smem:$0x3FB5]  }
0x3d: {  	_ =	shalt  }
0x3e: {  	_ =	shalt  }
0x3f: {  	_ =	shalt  }
0x40: {  	_ =	shalt  }
0x41: {  	_ =	shalt  }
0x42: {  	_ =	shalt  }
0x43: {  	_ =	shalt  }
0x44: {  	_ =	shalt  }
0x45: {  	_ =	shalt  }
0x46: {  	_ =	shalt  }
0x47: {  	_ =	shalt  }
0x48: {  	_ =	shalt  }
0x49: {  	_ =	shalt  }
0x4a: {  	_ =	shalt  }
0x4b: {  	_ =	shalt  }
0x4c: {  	_ =	shalt  }
0x4d: {  	_ =	shalt  }
0x4e: {  	_ =	shalt  }
0x4f: {  	_ =	shalt  }
0x50: {  	_ =	shalt  }
0x51: {  	_ =	shalt  }
0x52: {  	_ =	shalt  }
0x53: {  	_ =	shalt  }
0x54: {  	_ =	shalt  }
0x55: {  	_ =	shalt  }
0x56: {  	_ =	shalt  }
0x57: {  	_ =	shalt  }
0x58: {  	_ =	shalt  }
0x59: {  	_ =	shalt  }
0x5a: {  	_ =	shalt  }
0x5b: {  	_ =	shalt  }
0x5c: {  	_ =	shalt  }
0x5d: {  	_ =	shalt  }
0x5e: {  	_ =	shalt  }
0x5f: {  	_ =	shalt  }
0x60: {  	_ =	shalt  }
0x61: {  	_ =	shalt  }
0x62: {  	_ =	shalt  }
0x63: {  	_ =	shalt  }
0x64: {  	_ =	shalt  }
0x65: {  	_ =	shalt  }
0x66: {  	_ =	shalt  }
0x67: {  	_ =	shalt  }
0x68: {  	_ =	shalt  }
0x69: {  	_ =	shalt  }
0x6a: {  	_ =	shalt  }
0x6b: {  	_ =	shalt  }
0x6c: {  	_ =	shalt  }
0x6d: {  	_ =	shalt  }
0x6e: {  	_ =	shalt  }
0x6f: {  	_ =	shalt  }
0x70: {  	_ =	shalt  }
0x71: {  	_ =	shalt  }
0x72: {  	_ =	shalt  }
0x73: {  	_ =	shalt  }
0x74: {  	_ =	shalt  }
0x75: {  	_ =	shalt  }
0x76: {  	_ =	shalt  }
0x77: {  	_ =	shalt  }
0x78: {  	_ =	shalt  }
0x79: {  	_ =	shalt  }
0x7a: {  	_ =	shalt  }
0x7b: {  	_ =	shalt  }
0x7c: {  	_ =	shalt  }
0x7d: {  	_ =	shalt  }
0x7e: {  	_ =	shalt  }
0x7f: {  	_ =	shalt  }
0x80: {  	_ =	shalt  }
0x81: {  	_ =	shalt  }
0x82: {  	_ =	shalt  }
0x83: {  	_ =	shalt  }
0x84: {  	_ =	shalt  }
0x85: {  	_ =	shalt  }
0x86: {  	_ =	shalt  }
0x87: {  	_ =	shalt  }
.Lfunc_end0:
.L_simem_size_0:
called_computation_lowered:
.L_overlay_start_0:
0x88: {  	s2 =	sld [smem:$0x3FD9]  }
0x89: {  	s3 =	sld [smem:$0x3FFE];
	_ =	sdelay $0x1  }
0x8a: {  	s1 =	srdreg.scid  }
0x8b: {  	s0 =	sand.u32 $0x1, s1  }
0x8c: {  	s17 =	sshll.u32 s0, $0xA;
	s2 =	sadd.s32 s3, s2  }
0x8d: {  	s2 =	sadd.s32 s2, s17  }
0x8e: {  	[smem:$0x3FC1] =	sst s2  }
0x8f: {  	_ = 	snop  }
0x90: {  	s2 =	sld [smem:$0x3FC9]  }
0x91: {  	s18 =	sld [smem:$0x3FC8]  }
0x92: {  	s4 =	sld [smem:$0x3FC7]  }
0x93: {  	s5 =	sld [smem:$0x3FC6]  }
0x94: {  	s6 =	sld [smem:$0x3FC5]  }
0x95: {  	s7 =	sld [smem:$0x3FC4]  }
0x96: {  	s8 =	sld [smem:$0x3FC3];
	(tm) =	ssettm $0x1  }
0x97: {  	s9 =	sld [smem:$0x3FFB];
	_ =	sdelay $0x3  }
0x98: {  	_ =	strace s9  }
0x99: {  	s9 =	sld [smem:$0x3FFC];
	_ =	sdelay $0x3  }
0x9a: {  	_ =	strace s9  }
0x9b: {  	s9 =	sld [smem:$0x3FFD];
	_ =	sdelay $0x3  }
0x9c: {  	_ =	strace s9  }
0x9d: {  	_ =	strace $0x8FFFFFFF  }
0x9e: {  	s19 =	sld [smem:$0x3FDB];
	_ =	sdelay $0x1  }
0x9f: {  	s10 =	simm.s32 $_scs_section_size  }
0xa0: {  	s11 =	simm.s32 $_size__tile_overlayer_lowered;
	s12 =	simm.s32 $_tile_overlayer_lowered  }
0xa1: {  	s22 =	simm.s32 $0x1BFF;
	s21 =	sshll.u32 s12, $0x1;
	s9 =	sadd.s32 s10, s19  }
0xa2: {  	s13 =	simm.s32 $0x0;
	s20 =	sshll.u32 s11, $0x1;
	s11 =	sadd.s32 s21, s9  }
0xa3: {  	[timem:s13], [sflag:s22] =	dma.local [hbm:s11], s20  }
0xa4: {  	_ =	swait.ge [sflag:s22], s20  }
0xa5: {  	s10 =	ssub.s32 $0x0, s20;
	[sflag:s22] =	ssyncset.done $0x0  }
0xa6: {  	[sflag:s22] =	ssyncadd.s32 s10;
	_ =	sdelay $0x1  }
0xa7: {  	s23 =	simm.s32 $0x1B8B  }
0xa8: {  	_ =	swait.ge [sflag:s23], $0x1  }
0xa9: {  	[sflag:s23] =	ssyncset.done $0x0  }
0xaa: {  	s25 =	simm.s32 $0x1B8E;
	s24 =	sld [smem:$0x3FFE];
	[sflag:s23] =	ssyncadd.s32 $0xFFFFFFFF  }
0xab: {  	s26 =	simm.s32 $execute0_lowered;
	[smem:$0x3FD2] =	sst s25  }
0xac: {  	s11 =	sshll.u32 s26, $0x1;
	_ =	strace $0x80000046;
	[dreg:$0x1] =	wrdreg $0xFFFFFFFF  }
0xad: {  	s28 =	simm.s32 $_size_execute0_lowered;
	s9 =	sadd.s32 s9, s11;
	[dreg:$0x0] =	wrdreg $0x0  }
0xae: {  	s11 =	sshll.u32 s28, $0x1;
	[dreg:$0x2] =	wrdreg s9  }
0xaf: {  	[dreg:$0x3] =	wrdreg s11  }
0xb0: {  	[dreg:$0x4] =	wrdreg $0xC0  }
0xb1: {  	_ =	task [dreg:s13], $0x5FFFF  }
0xb2: {  	[dreg:$0x1] =	wrdreg $0xFFFFFFFF  }
0xb3: {  	[dreg:$0x0] =	wrdreg $0x60  }
0xb4: {  	[dreg:$0x2] =	wrdreg s2  }
0xb5: {  	[dreg:$0x3] =	wrdreg s18  }
0xb6: {  	[dreg:$0x4] =	wrdreg s4  }
0xb7: {  	[dreg:$0x5] =	wrdreg s5  }
0xb8: {  	[dreg:$0x6] =	wrdreg s6  }
0xb9: {  	[dreg:$0x7] =	wrdreg s7  }
0xba: {  	[dreg:$0x8] =	wrdreg s8  }
0xbb: {  	[dreg:$0x9] =	wrdreg s24  }
0xbc: {  	[dreg:$0xa] =	wrdreg $0x9  }
0xbd: {  	_ =	task.clear_ibuf [dreg:s13], $0xBFFFF;
	_ =	strace $0x90000046  }
0xbe: {  	s29 =	simm.s32 $0x9;
	_ =	strace $0x80000048  }
0xbf: {  	_ =	swait.ge [sflag:s29], $0x1  }
0xc0: {  	[sflag:s29] =	ssyncadd.s32 $0xFFFFFFFF  }
0xc1: {  	_ =	strace $0x90000048  }
0xc2: {  	_ =	sfence  }
0xc3: {  	s30 =	sld [smem:$0x0];
	_ =	sdelay $0x2  }
0xc4: {  	s31 =	sshll.u32 s1, $0xD;
	s1 =	sshrl.u32 s1, $0x2  }
0xc5: {  	s3 =	sand.u32 $0x4000, s31;
	s1 =	sadd.s32 s1, s30  }
0xc6: {  	s0 =	sor.u32 s3, s0;
	s1 =	sshll.u32 s1, $0x11  }
0xc7: {  	s0 =	sor.u32 s1, s0  }
0xc8: {  	s0 =	sadd.s32 $0x8F2B, s0  }
0xc9: {  	[sflag:s0] =	ssyncadd.remote.s32 $0x1  }
0xca: {  	_ =	sfence.sel $0xFFFF  }
0xcb: {  	[dreg:$0x0] =	wrdreg $0xFFFFFFFF;
	(pc) =	sbr.abs _section_cstart, $3  }
0xcc: {  	[dreg:$0x1] =	wrdreg $0xFFFFFFFF  }
0xcd: {  	_ =	task.clear_ibuf [dreg:s13], $0x2FFFF;
	_ =	strace $0x9FFFFFFF  }
0xce: {  	(tm) =	ssettm $0x7FFFFFFF  }
0xcf: {  	_ =	shalt  }
tec
execute0_lowered:
.L_overlay_start_1:
0x0: {  	(tag) =	ssettag $0x1  }
0x1: {  	v0 =	vimm.s32 $0x76543210;
	v1 =	vimm.s32 $0xFEDCBA98;
	v2 =	vimm.s32 $0xBA98FEDC  }
0x2: {  	v3 =	vimm.s32 $0x32107654;
	v4 =	vimm.s32 $0xDCFE98BA;
	v5 =	vimm.s32 $0x54761032  }
0x3: {  	s0 =	rddreg [dreg:$0x0];
	vm0 =	vcmask $0x2F20;
	vm1 =	vcmask $0xF00;
	vm2 =	vcmask $0x1710  }
0x4: {  	s1 =	rddreg [dreg:$0x1];
	vm3 =	vcmask $0x700;
	vm4 =	vcmask $0x300;
	v1 =	vunpack.c.l.s4.s8 v1  }
0x5: {  	s2 =	rddreg [dreg:$0x2];
	v0 =	vunpack.c.l.s4.s8 v0;
	v2 =	vunpack.c.l.s4.s8 v2;
	v3 =	vunpack.c.l.s4.s8 v3  }
0x6: {  	s3 =	rddreg [dreg:$0x7];
	s4 =	srdreg.scid;
	v4 =	vunpack.c.l.s4.s8 v4;
	vm0 =	vmor vm1, vm0;
	v1 =	vunpack.c.0.s8.s32 v1  }
0x7: {  	s9 =	simm.s32 $0x0;
	s5 =	stileid.u32;
	s19 =	simm.s32 $0x3;
	v0 =	vunpack.c.0.s8.s32 v0;
	v2 =	vunpack.c.0.s8.s32 v2;
	v3 =	vunpack.c.0.s8.s32 v3  }
0x8: {  	s31 =	simm.s32 $0x1;
	s20 =	simm.s32 $0x2;
	s4 =	sand.u32 $0x1, s4;
	vm1 =	vmor vm3, vm2;
	vm3 =	vcmask $0xB08;
	v1 =	vand.u32 $0xF, v1  }
0x9: {  	s22 =	simm.s32 $0x0;
	s5 =	sshll.u32 s5, $0x7;
	s6 =	sshll.u32 s4, $0x6;
	v0 =	vcombine.low v1, v0;
	v1 =	vcombine.low v3, v2;
	v2 =	vunpack.c.l.s4.s8 v5  }
0xa: {  	[smem:$0x7FF] =	sst s9;
	vm2 =	vcmask $0x2720;
	s4 =	ssub.s32 $0x2, s4;
	vm3 =	vmor vm4, vm3;
	s5 =	sor.u32 s6, s5  }
0xb: {  	_ =	strace $0x80000047;
	vm4 =	vcmask $0x1310;
	s7 =	sshrl.u32 s4, $0x1;
	s6 =	sshrl.u32 s5, $0x3;
	v3 =	vunpack.c.0.s8.s32 v4;
	v2 =	vunpack.c.0.s8.s32 v2  }
0xc: {  	vm1 =	vmor vm1, vm2;
	vm2 =	vcmask $0x3730;
	vm3 =	vmor vm3, vm4;
	s10 =	sor.u32 $0x3800, s5;
	s4 =	ssub.s32 s4, s7;
	s5 =	sor.u32 $0x3820, s5  }
0xd: {  	s7 =	simm.s32 $0xAA80;
	s3 =	sadd.s32 s6, s3;
	s25 =	sshll.u32 s10, $0x6;
	v4 =	vimm.s32 $0x67452301;
	v2 =	vcombine.low v2, v3;
	v3 =	vimm.s32 $0xEFCDAB89  }
0xe: {  	vm4 =	vcmask $0x1B18;
	s26 =	sshll.u32 s10, $0x7;
	s28 =	sshll.u32 s5, $0x6;
	s5 =	sshll.u32 s5, $0x7;
	v4 =	vunpack.c.l.s4.s8 v4;
	v3 =	vunpack.c.l.s4.s8 v3  }
0xf: {  	vm1 =	vmor vm1, vm2;
	vm2 =	vmor vm3, vm4;
	s29 =	smax.u32 s4, $0x1;
	s4 =	simm.s32 $0x10A80;
	s6 =	simm.s32 $0x12A80  }
0x10: {  	vm3 =	vcmask $0x2320;
	s8 =	sadd.s32 s0, s25;
	s12 =	sadd.s32 s1, s26;
	s13 =	sadd.s32 s2, s26;
	v4 =	vunpack.c.0.s8.s32 v4;
	v3 =	vunpack.c.0.s8.s32 v3  }
0x11: {  	vm4 =	vcmask $0x2B28;
	vm3 =	vmor vm2, vm3;
	vm2 =	vmmov $0xff;
	s14 =	sadd.s32 s0, s28;
	s15 =	sadd.s32 s1, s5;
	s16 =	sadd.s32 s2, s5  }
0x12: {  	s3 =	sadd.s32 $0xA00, s3;
	[dreg:$0xa] =	wrdreg s29;
	vm3 =	vmor vm3, vm4;
	vm4 =	vcmask $0x3330;
	s5 =	simm.s32 $0xDA80;
	v3 =	vcombine.low v4, v3  }
0x13: {  	[dreg:$0x9] =	wrdreg s3;
	s24 =	smov.u32 s8;
	s30 =	sadd.s32 $0x200, s8;
	vm3 =	vmor vm3, vm4;
	vm4 =	vcmask $0x3B38;
	v1 =	vand.u32 $0xF, v1  }
0x14: {  	s8 =	simm.s32 $0xFA80;
	s3 =	simm.s32 $0xBA80;
	[dreg:$0xb] =	wrdreg s30;
	vm3 =	vmor vm3, vm4;
	v2 =	vand.u32 $0xF, v2;
	v3 =	vand.u32 $0xF, v3  }
.LBB2_1:
0x15: {  	s11 =	rddreg [dreg:$0x3]  }
0x16: {  	[tilespmem:s9], [sflag:$0x3] =	stream.linear.gather [hbm4b:s11+s9], $0x200, $0x38;
	[tilespmem:$0x14B00] =	vst v63  }
0x17: {  	_ =	swait.ge [sflag:s19], $0x200  }
0x18: {  	[sflag:s19] =	ssyncset.done $0x0  }
0x19: {  	[sflag:s19] =	ssyncadd.s32 $0xFFFFFE00  }
0x1a: {  	s17 =	simm.s32 $0x200;
	s25 =	rddreg [dreg:$0x4]  }
0x1b: {  	[tilespmem:s17], [sflag:$0x3] =	stream.linear.gather [hbm4b:s25+s9], $0x400, $0x38;
	[tilespmem:$0x14B00] =	vst v63  }
0x1c: {  	_ =	swait.ge [sflag:s19], $0x400  }
0x1d: {  	[sflag:s19] =	ssyncset.done $0x0  }
0x1e: {  	[sflag:s19] =	ssyncadd.s32 $0xFFFFFC00  }
0x1f: {  	s28 =	simm.s32 $0x600;
	s26 =	rddreg [dreg:$0x5]  }
0x20: {  	[tilespmem:s28], [sflag:$0x3] =	stream.linear.gather [hbm4b:s26+s9], $0x400, $0x38;
	[tilespmem:$0x14B00] =	vst v63  }
0x21: {  	_ =	swait.ge [sflag:s19], $0x400  }
0x22: {  	[sflag:s19] =	ssyncset.done $0x0  }
0x23: {  	[sflag:s19] =	ssyncadd.s32 $0xFFFFFC00  }
0x24: {  	s30 =	simm.s32 $0xA00;
	s29 =	rddreg [dreg:$0x6]  }
0x25: {  	[tilespmem:s30], [sflag:$0x3] =	stream.linear.gather [hbm4b:s29+s9], $0x1, $0x38;
	[tilespmem:$0x14B00] =	vst v63  }
0x26: {  	_ =	swait.ge [sflag:s19], $0x1  }
0x27: {  	[sflag:s19] =	ssyncset.done $0x0  }
0x28: {  	s17 =	simm.s32 $0xA80;
	[sflag:s19] =	ssyncadd.s32 $0xFFFFFFFF  }
0x29: {  	[tilespmem:s17], [sflag:$0x1] =	stream.linear.gather [hbm4b:s24+s9], $0x1000, $0x38;
	[tilespmem:$0x14B00] =	vst v63  }
0x2a: {  	s21 =	simm.s32 $0x5A80;
	s18 =	rddreg [dreg:$0xb]  }
0x2b: {  	[tilespmem:s21], [sflag:$0x1] =	stream.linear.gather [hbm4b:s18+s9], $0x1000, $0x38;
	[tilespmem:$0x14B00] =	vst v63  }
0x2c: {  	s23 =	simm.s32 $0x1A80  }
0x2d: {  	[tilespmem:s23], [sflag:$0x1] =	stream.linear.gather [hbm4b:s12+s9], $0x2000, $0x38;
	[tilespmem:$0x14B00] =	vst v63  }
0x2e: {  	s25 =	sadd.s32 $0x400, s12;
	s26 =	simm.s32 $0x6A80  }
0x2f: {  	[tilespmem:s26], [sflag:$0x1] =	stream.linear.gather [hbm4b:s25+s9], $0x2000, $0x38;
	[tilespmem:$0x14B00] =	vst v63  }
0x30: {  	p1 =	por $0x1, $0x1;
	s28 =	simm.s32 $0x3A80  }
0x31: {  	[tilespmem:s28], [sflag:$0x1] =	stream.linear.gather [hbm4b:s13+s9], $0x2000, $0x38;
	[tilespmem:$0x14B00] =	vst v63  }
0x32: {  	s29 =	sadd.s32 $0x400, s13;
	s30 =	simm.s32 $0x8A80;
	s25 =	simm.s32 $0x0  }
0x33: {  	[tilespmem:s30], [sflag:$0x1] =	stream.linear.gather [hbm4b:s29+s9], $0x2000, $0x38;
	[tilespmem:$0x14B00] =	vst v63  }
.LBB2_2:
0x34: {  	_ =	swait.ge [sflag:s31], $0x2000  }
0x35: {  	[sflag:s31] =	ssyncset.done $0x0  }
0x36: {  	[sflag:s31] =	ssyncadd.s32 $0xFFFFE000  }
0x37: {  	_ =	swait.ge [sflag:s31], $0x4000  }
0x38: {  	s17 =	sshllo.u32 s25, $0x1;
	[sflag:s31] =	ssyncset.done $0x0  }
0x39: {  	s23 =	sshll.u32 s17, $0x4;
	[sflag:s31] =	ssyncadd.s32 $0xFFFFC000  }
0x3a: {  	s17 =	sor.u32 s10, s23;
	_ =	swait.ge [sflag:s31], $0x4000  }
0x3b: {  	s18 =	sshll.u32 s17, $0x6;
	[sflag:s31] =	ssyncset.done $0x0  }
0x3c: {  	s26 =	simm.s32 $0x0;
	s18 =	sadd.s32 s0, s18;
	[sflag:s31] =	ssyncadd.s32 $0xFFFFC000  }
0x3d: {  	[tilespmem:s7], [sflag:$0x2] =	stream.linear.gather [hbm4b:s18+s26], $0x1000, $0x38;
	[tilespmem:$0x14B00] =	vst v63  }
0x3e: {  	s17 =	sshll.u32 s17, $0x7;
	s18 =	sadd.s32 $0x200, s18  }
0x3f: {  	[tilespmem:s8], [sflag:$0x2] =	stream.linear.gather [hbm4b:s18+s26], $0x1000, $0x38;
	[tilespmem:$0x14B00] =	vst v63  }
0x40: {  	s11 =	sadd.s32 s1, s17  }
0x41: {  	[tilespmem:s3], [sflag:$0x2] =	stream.linear.gather [hbm4b:s11+s26], $0x2000, $0x38;
	[tilespmem:$0x14B00] =	vst v63  }
0x42: {  	s18 =	sadd.s32 $0x400, s11  }
0x43: {  	[tilespmem:s4], [sflag:$0x2] =	stream.linear.gather [hbm4b:s18+s26], $0x2000, $0x38;
	[tilespmem:$0x14B00] =	vst v63  }
0x44: {  	s17 =	sadd.s32 s2, s17  }
0x45: {  	[tilespmem:s5], [sflag:$0x2] =	stream.linear.gather [hbm4b:s17+s26], $0x2000, $0x38;
	[tilespmem:$0x14B00] =	vst v63  }
0x46: {  	s21 =	sand.u32 $0x7, s26;
	s17 =	sadd.s32 $0x400, s17  }
0x47: {  	[tilespmem:s6], [sflag:$0x2] =	stream.linear.gather [hbm4b:s17+s26], $0x2000, $0x38;
	[tilespmem:$0x14B00] =	vst v63  }
0x48: {  	s11 =	sand.u32 $0x70, s26;
	s17 =	sshll.u32 s21, $0x4;
	s21 =	sand.u32 $0x7C00, s26  }
0x49: {  	v4 =	vld [tilespmem:s26+$0x0];
	s28 =	sor.u32 s11, s21  }
0x4a: {  	v6 =	vld [tilespmem:s28+$0xA80]  }
0x4b: {  	v7 =	vld [tilespmem:s28+$0xB00]  }
0x4c: {  	v10 =	vld [tilespmem:s28+$0xC00]  }
0x4d: {  	s17 =	sadd.s32 $0x0, s17;
	v13 =	vld [tilespmem:s28+$0xD00]  }
0x4e: {  	s17 =	sor.u32 $0x380, s17;
	v14 =	vld [tilespmem:s28+$0xD80]  }
0x4f: {  	v5 =	vld [tilespmem:s17+$0xA80]  }
0x50: {  	v15 =	vld [tilespmem:s28+$0x5A80]  }
0x51: {  	v12 =	vimm.f32 $0.0e+00;
	v9 =	vld [tilespmem:s28+$0xB80]  }
0x52: {  	v19 =	vimm.f32 $0.0e+00;
	v16 =	vimm.f32 $0.0e+00;
	v11 =	vld [tilespmem:s28+$0xC80];
	v8 =	vmul.f32 v6, v4  }
0x53: {  	v17 =	vimm.f32 $0.0e+00;
	v7 =	vmul.f32 v7, v4;
	v10 =	vmul.f32 v10, v4  }
0x54: {  	v20 =	vimm.f32 $0.0e+00;
	v13 =	vmul.f32 v13, v4;
	v5 =	vmul.f32 v5, v4  }
0x55: {  	v18 =	vimm.f32 $0.0e+00;
	v24 =	vld [tilespmem:s28+$0x5B00];
	v26 =	vmul.f32 v14, v4;
	v27 =	vmul.f32 v15, v4  }
0x56: {  	v22 =	vld [tilespmem:s28+$0x5B80];
	v15 =	vimm.f32 $0.0e+00;
	v6 =	vadd.f32 v5, v12;
	v5 =	vmul.f32 v9, v4  }
0x57: {  	s29 =	simm.s32 $0x1;
	v21 =	vld [tilespmem:s28+$0x5C00];
	v8 =	vadd.f32 v8, v12;
	v9 =	vadd.f32 v7, v12;
	v7 =	vmul.f32 v11, v4  }
0x58: {  	p0 =	por p1, p1;
	s30 =	simm.s32 $0x0;
	s21 =	simm.s32 $0x10;
	v23 =	vld [tilespmem:s28+$0x5C80];
	v14 =	vimm.f32 $0.0e+00;
	v10 =	vadd.f32 v10, v12;
	v11 =	vadd.f32 v5, v12  }
0x59: {  	s18 =	sand.u32 $0x7, s29;
	v25 =	vld [tilespmem:s28+$0x5D00];
	s17 =	sand.u32 $0x70, s21;
	s21 =	simm.s32 $0x20;
	v7 =	vadd.f32 v7, v12;
	v5 =	vadd.f32 v13, v12;
	v13 =	vimm.f32 $0.0e+00  }
.LBB2_3:
0x5a: {  	p1 =	sne.s32 s21, $0x9F0;
	s18 =	sshll.u32 s18, $0x4;
	v12 =	vadd.f32 v26, v12;
	v24 =	vmul.f32 v24, v4;
	v26 =	vld [tilespmem:s28+$0x5D80];
	s26 =	sadd.s32 $0x80, s26  }
0x5b: {  	s30 =	sadd.s32 $0x10, s30;
	s18 =	sadd.s32 s18, s26;
	s11 =	sand.u32 $0x7C00, s26;
	v19 =	vadd.f32 v27, v19;
	v22 =	vmul.f32 v22, v4;
	v27 =	vld [tilespmem:s28+$0x5E00]  }
0x5c: {  	v28 =	vld [tilespmem:s30+$0x0];
	s28 =	sor.u32 s17, s11;
	s11 =	sor.u32 $0x380, s18;
	v15 =	vadd.f32 v24, v15;
	v21 =	vmul.f32 v21, v4  }
0x5d: {  	v24 =	vld [tilespmem:s11+$0xA80];
	v16 =	vadd.f32 v22, v16;
	v22 =	vmul.f32 v23, v4  }
0x5e: {  	v23 =	vld [tilespmem:s28+$0xA80];
	v17 =	vadd.f32 v21, v17;
	v21 =	vmul.f32 v25, v4  }
0x5f: {  	v25 =	vld [tilespmem:s28+$0xB00];
	v13 =	vadd.f32 v22, v13;
	v22 =	vmul.f32 v26, v4  }
0x60: {  	v26 =	vld [tilespmem:s28+$0xB80];
	v20 =	vadd.f32 v21, v20;
	v21 =	vmul.f32 v27, v4  }
0x61: {  	v27 =	vld [tilespmem:s28+$0xC00];
	v18 =	vadd.f32 v22, v18;
	v4 =	vmov v28  }
0x62: {  	v22 =	vld [tilespmem:s28+$0xC80];
	v24 =	vmul.f32 v24, v4;
	v14 =	vadd.f32 v21, v14  }
0x63: {  	v21 =	vmul.f32 v23, v4;
	v23 =	vld [tilespmem:s28+$0xD00]  }
0x64: {  	v25 =	vmul.f32 v25, v4;
	v28 =	vld [tilespmem:s28+$0xD80];
	v6 =	vadd.f32 v24, v6  }
0x65: {  	v8 =	vadd.f32 v21, v8;
	v21 =	vmul.f32 v26, v4;
	v29 =	vld [tilespmem:s28+$0x5A80]  }
.Ltmp0:
0x66: {  	v9 =	vadd.f32 v25, v9;
	v25 =	vmul.f32 v27, v4;
	v24 =	vld [tilespmem:s28+$0x5B00];
	(pc) =	sbr.rel @p1 .LBB2_3-.Ltmp0, $4  }
0x67: {  	v11 =	vadd.f32 v21, v11;
	v26 =	vmul.f32 v22, v4;
	v22 =	vld [tilespmem:s28+$0x5B80]  }
0x68: {  	v10 =	vadd.f32 v25, v10;
	v25 =	vmul.f32 v23, v4;
	v21 =	vld [tilespmem:s28+$0x5C00]  }
0x69: {  	s29 =	sadd.s32 $0x1, s29;
	v7 =	vadd.f32 v26, v7;
	v26 =	vmul.f32 v28, v4;
	v23 =	vld [tilespmem:s28+$0x5C80]  }
0x6a: {  	s18 =	sand.u32 $0x7, s29;
	s17 =	sand.u32 $0x70, s21;
	s21 =	sadd.s32 $0x10, s21;
	v5 =	vadd.f32 v25, v5;
	v27 =	vmul.f32 v29, v4;
	v25 =	vld [tilespmem:s28+$0x5D00]  }
0x6b: {  	s11 =	sshll.u32 s18, $0x4;
	v28 =	vld [tilespmem:s28+$0x5D80];
	s29 =	sadd.s32 $0x80, s26  }
0x6c: {  	v29 =	vld [tilespmem:s28+$0x5E00];
	s21 =	sadd.s32 $0x10, s30;
	s11 =	sadd.s32 s11, s29  }
0x6d: {  	s18 =	sand.u32 $0x7C00, s29;
	v30 =	vld [tilespmem:s21+$0x0];
	s11 =	sor.u32 $0x380, s11  }
0x6e: {  	s17 =	sor.u32 s17, s18;
	v31 =	vld [tilespmem:s11+$0xA80]  }
0x6f: {  	v32 =	vld [tilespmem:s17+$0xA80]  }
0x70: {  	v33 =	vld [tilespmem:s17+$0xB00]  }
0x71: {  	v34 =	vld [tilespmem:s17+$0xB80]  }
0x72: {  	v24 =	vmul.f32 v24, v4;
	v35 =	vld [tilespmem:s17+$0xC00]  }
0x73: {  	v12 =	vadd.f32 v26, v12;
	v21 =	vmul.f32 v21, v4;
	v36 =	vld [tilespmem:s17+$0xC80]  }
0x74: {  	v19 =	vadd.f32 v27, v19;
	v22 =	vmul.f32 v22, v4;
	v15 =	vadd.f32 v24, v15;
	v26 =	vld [tilespmem:s17+$0xD00]  }
0x75: {  	v27 =	vld [tilespmem:s17+$0xD80];
	v23 =	vmul.f32 v23, v4;
	v17 =	vadd.f32 v21, v17;
	v21 =	vmul.f32 v28, v4  }
0x76: {  	v16 =	vadd.f32 v22, v16;
	v22 =	vld [tilespmem:s17+$0x5B00];
	v24 =	vmul.f32 v25, v4;
	v4 =	vmul.f32 v29, v4  }
0x77: {  	v25 =	vld [tilespmem:s17+$0x5A80];
	v13 =	vadd.f32 v23, v13;
	v18 =	vadd.f32 v21, v18;
	v21 =	vmul.f32 v31, v30  }
0x78: {  	v23 =	vld [tilespmem:s17+$0x5B80];
	v20 =	vadd.f32 v24, v20;
	v4 =	vadd.f32 v4, v14;
	v14 =	vmul.f32 v33, v30  }
0x79: {  	v28 =	vld [tilespmem:s17+$0x5C00];
	v29 =	vmul.f32 v34, v30;
	v6 =	vadd.f32 v21, v6;
	v21 =	vmul.f32 v35, v30  }
0x7a: {  	v63 =	vld [tilespmem:s17+$0x5C80];
	v24 =	vmul.f32 v32, v30;
	v9 =	vadd.f32 v14, v9;
	v14 =	vmul.f32 v36, v30  }
0x7b: {  	v11 =	vadd.f32 v29, v11;
	v29 =	vld [tilespmem:s17+$0x5D80];
	v10 =	vadd.f32 v21, v10;
	v21 =	vmul.f32 v26, v30  }
0x7c: {  	v8 =	vadd.f32 v24, v8;
	v24 =	vld [tilespmem:s17+$0x5D00];
	v7 =	vadd.f32 v14, v7;
	v14 =	vmul.f32 v25, v30  }
0x7d: {  	v22 =	vmul.f32 v22, v30;
	v5 =	vadd.f32 v21, v5;
	v21 =	vmul.f32 v23, v30  }
0x7e: {  	v26 =	vmul.f32 v27, v30;
	v27 =	vld [tilespmem:s17+$0x5E00];
	v14 =	vadd.f32 v14, v19;
	v19 =	vmul.f32 v28, v30  }
0x7f: {  	v16 =	vadd.f32 v21, v16;
	v21 =	vmul.f32 v63, v30  }
0x80: {  	v15 =	vadd.f32 v22, v15;
	v17 =	vadd.f32 v19, v17;
	v19 =	vmul.f32 v29, v30  }
0x81: {  	v12 =	vadd.f32 v26, v12;
	v22 =	vmul.f32 v24, v30;
	v13 =	vadd.f32 v21, v13  }
0x82: {  	v21 =	vperm.xlane v8, v0;
	v18 =	vadd.f32 v19, v18;
	v19 =	vperm.xlane v14, v0  }
0x83: {  	v23 =	vmul.f32 v27, v30;
	v20 =	vadd.f32 v22, v20;
	v22 =	vperm.xlane v15, v0  }
0x84: {  	v8 =	vadd.f32 v21, v8;
	v21 =	vperm.xlane v9, v0;
	v14 =	vadd.f32 v19, v14  }
0x85: {  	v4 =	vadd.f32 v23, v4;
	v23 =	vperm.xlane v16, v0;
	v19 =	vperm.xlane v11, v0  }
0x86: {  	v15 =	vadd.f32 v22, v15;
	v9 =	vadd.f32 v21, v9;
	v8 =	vsel vm2, v8, v14  }
0x87: {  	v11 =	vadd.f32 v19, v11;
	v14 =	vadd.f32 v23, v16;
	v19 =	vperm.xlane v13, v0  }
0x88: {  	v16 =	vperm.xlane v17, v0;
	v9 =	vsel vm2, v9, v15;
	v15 =	vperm.xlane v10, v0  }
0x89: {  	v11 =	vsel vm2, v11, v14;
	v14 =	vperm.xlane v7, v0;
	v13 =	vadd.f32 v19, v13  }
0x8a: {  	v19 =	vperm.xlane v6, v0;
	v10 =	vadd.f32 v15, v10;
	v15 =	vadd.f32 v16, v17  }
0x8b: {  	v16 =	vperm.xlane v5, v0;
	v7 =	vadd.f32 v14, v7;
	v14 =	vperm.xlane v20, v0  }
0x8c: {  	v17 =	vperm.xlane v18, v0;
	v6 =	vadd.f32 v19, v6  }
0x8d: {  	v5 =	vadd.f32 v16, v5;
	v16 =	vperm.xlane v12, v0;
	v14 =	vadd.f32 v14, v20  }
0x8e: {  	v20 =	vperm.xlane v4, v0;
	v10 =	vsel vm2, v10, v15;
	v15 =	vadd.f32 v17, v18  }
0x8f: {  	v7 =	vsel vm2, v7, v13;
	v13 =	vperm.xlane v8, v1;
	v12 =	vadd.f32 v16, v12  }
0x90: {  	v4 =	vadd.f32 v20, v4;
	v5 =	vsel vm2, v5, v14;
	v14 =	vperm.xlane v7, v1  }
0x91: {  	v8 =	vadd.f32 v13, v8;
	v13 =	vperm.xlane v5, v1;
	v12 =	vsel vm2, v12, v15  }
0x92: {  	v4 =	vsel vm2, v6, v4;
	v6 =	vperm.xlane v9, v1;
	v7 =	vadd.f32 v14, v7  }
0x93: {  	v5 =	vadd.f32 v13, v5;
	v13 =	vperm.xlane v10, v1;
	v15 =	vperm.xlane v4, v1  }
0x94: {  	v14 =	vperm.xlane v12, v1;
	v6 =	vadd.f32 v6, v9;
	v9 =	vperm.xlane v11, v1  }
0x95: {  	v10 =	vadd.f32 v13, v10;
	v4 =	vadd.f32 v15, v4  }
0x96: {  	v7 =	vsel vm0, v8, v7;
	v9 =	vadd.f32 v9, v11;
	v11 =	vadd.f32 v14, v12  }
0x97: {  	v8 =	vperm.xlane v7, v2;
	v5 =	vsel vm0, v6, v5  }
0x98: {  	v4 =	vsel vm0, v10, v4;
	v10 =	vperm.xlane v5, v2;
	v6 =	vsel vm0, v9, v11  }
0x99: {  	v11 =	vperm.xlane v4, v2;
	v9 =	vperm.xlane v6, v2  }
0x9a: {  	v7 =	vadd.f32 v8, v7;
	v5 =	vadd.f32 v10, v5  }
0x9b: {  	v4 =	vadd.f32 v11, v4;
	v6 =	vadd.f32 v9, v6;
	_ =	sdelay $0x1  }
0x9c: {  	v4 =	vsel vm1, v5, v4;
	v6 =	vsel vm1, v7, v6  }
0x9d: {  	v8 =	vld.msk [tilespmem:$0xA00 ss:$0x0], $0xffff;
	v7 =	vperm.xlane v4, v3;
	v5 =	vperm.xlane v6, v3;
	_ =	sdelay $0x1  }
0x9e: {  	v4 =	vadd.f32 v7, v4;
	v5 =	vadd.f32 v5, v6;
	_ =	sdelay $0x1  }
0x9f: {  	v4 =	vsel vm3, v5, v4  }
0xa0: {  	v4 =	vadd.f32 v8, v4;
	_ =	sdelay $0x1  }
0xa1: {  	v4 =	vsub.f32 $0.0e+00, v4;
	_ =	sdelay $0x1  }
0xa2: {  	v4 =	vmul.f32 $1.442695020e+00, v4;
	_ =	sdelay $0x1  }
0xa3: {  	(erf) = vpow2.f32 v4;
	_ =	sdelay $0x8  }
0xa4: {  	v4 =	vpop (erf)  }
0xa5: {  	v4 =	vadd.f32 $1.000000000e+00, v4;
	_ =	sdelay $0x1  }
0xa6: {  	(erf) = vrcp.f32 v4;
	_ =	sdelay $0x7  }
0xa7: {  	s25 =	sshll.u32 s25, $0x5  }
0xa8: {  	s11 =	sand.u32 $0x3FFFFFE0, s25;
	v4 =	vpop (erf)  }
0xa9: {  	[tilespmem:s11+$0x14A80] =	vst v4  }
0xaa: {  	_ =	swait.ge [sflag:s20], $0x2000  }
0xab: {  	[sflag:s20] =	ssyncset.done $0x0  }
0xac: {  	[sflag:s20] =	ssyncadd.s32 $0xFFFFE000  }
0xad: {  	_ =	swait.ge [sflag:s20], $0x4000  }
0xae: {  	[sflag:s20] =	ssyncset.done $0x0  }
0xaf: {  	[sflag:s20] =	ssyncadd.s32 $0xFFFFC000  }
0xb0: {  	_ =	swait.ge [sflag:s20], $0x4000  }
0xb1: {  	[sflag:s20] =	ssyncset.done $0x0  }
0xb2: {  	s17 =	simm.s32 @p0 $0xA80;
	s11 =	simm.s32 @p0 $0x0;
	[sflag:s20] =	ssyncadd.s32 $0xFFFFC000  }
0xb3: {  	[tilespmem:s17], [sflag:$0x1] =	stream.linear.gather @p0 [hbm4b:s14+s11], $0x1000, $0x38;
	[tilespmem:$0x14B00] =	vst v63  }
0xb4: {  	s18 =	simm.s32 @p0 $0x5A80;
	s17 =	sadd.s32 @p0 $0x200, s14  }
0xb5: {  	[tilespmem:s18], [sflag:$0x1] =	stream.linear.gather @p0 [hbm4b:s17+s11], $0x1000, $0x38;
	[tilespmem:$0x14B00] =	vst v63  }
0xb6: {  	s17 =	simm.s32 @p0 $0x1A80  }
0xb7: {  	[tilespmem:s17], [sflag:$0x1] =	stream.linear.gather @p0 [hbm4b:s15+s11], $0x2000, $0x38;
	[tilespmem:$0x14B00] =	vst v63  }
0xb8: {  	s26 =	simm.s32 $0x0;
	s18 =	simm.s32 @p0 $0x6A80;
	s17 =	sadd.s32 @p0 $0x400, s15  }
0xb9: {  	[tilespmem:s18], [sflag:$0x1] =	stream.linear.gather @p0 [hbm4b:s17+s11], $0x2000, $0x38;
	[tilespmem:$0x14B00] =	vst v63  }
0xba: {  	s28 =	sand.u32 $0x70, s26;
	s17 =	simm.s32 @p0 $0x3A80  }
0xbb: {  	[tilespmem:s17], [sflag:$0x1] =	stream.linear.gather @p0 [hbm4b:s16+s11], $0x2000, $0x38;
	[tilespmem:$0x14B00] =	vst v63  }
0xbc: {  	s29 =	sand.u32 $0x7C00, s26;
	s18 =	simm.s32 @p0 $0x8A80;
	s17 =	sadd.s32 @p0 $0x400, s16  }
0xbd: {  	[tilespmem:s18], [sflag:$0x1] =	stream.linear.gather @p0 [hbm4b:s17+s11], $0x2000, $0x38;
	[tilespmem:$0x14B00] =	vst v63  }
0xbe: {  	s30 =	sor.u32 s28, s29;
	v4 =	vld [tilespmem:s26+$0x0]  }
0xbf: {  	v5 =	vld [tilespmem:s30+$0xFE00]  }
0xc0: {  	v6 =	vld [tilespmem:s30+$0xAA80]  }
0xc1: {  	v7 =	vld [tilespmem:s30+$0xAB00]  }
0xc2: {  	v8 =	vld [tilespmem:s30+$0xAB80]  }
0xc3: {  	v9 =	vld [tilespmem:s30+$0xAC00]  }
0xc4: {  	v10 =	vld [tilespmem:s30+$0xAC80]  }
0xc5: {  	v11 =	vld [tilespmem:s30+$0xAD00]  }
0xc6: {  	v13 =	vld [tilespmem:s30+$0xAD80]  }
0xc7: {  	v15 =	vld [tilespmem:s30+$0xAE00]  }
0xc8: {  	v16 =	vld [tilespmem:s30+$0xFA80];
	v5 =	vmul.f32 v5, v4  }
0xc9: {  	v17 =	vld [tilespmem:s30+$0xFB00];
	v6 =	vmul.f32 v6, v4;
	v7 =	vmul.f32 v7, v4  }
0xca: {  	v19 =	vimm.f32 $0.0e+00;
	v8 =	vmul.f32 v8, v4;
	v9 =	vmul.f32 v9, v4  }
0xcb: {  	v20 =	vimm.f32 $0.0e+00;
	v10 =	vmul.f32 v10, v4;
	v11 =	vmul.f32 v11, v4  }
0xcc: {  	v14 =	vimm.f32 $0.0e+00;
	v18 =	vmul.f32 v13, v4;
	v15 =	vmul.f32 v15, v4  }
0xcd: {  	v21 =	vld [tilespmem:s30+$0xFB80];
	v26 =	vmul.f32 v16, v4;
	v5 =	vadd.f32 v5, v14;
	v6 =	vadd.f32 v6, v14  }
0xce: {  	v22 =	vld [tilespmem:s30+$0xFC00];
	v27 =	vmul.f32 v17, v4;
	v7 =	vadd.f32 v7, v14;
	v12 =	vadd.f32 v8, v14  }
0xcf: {  	v23 =	vld [tilespmem:s30+$0xFC80];
	v17 =	vimm.f32 $0.0e+00;
	v13 =	vadd.f32 v9, v14;
	v8 =	vadd.f32 v10, v14  }
0xd0: {  	s21 =	simm.s32 $0x80;
	s25 =	simm.s32 $0x10;
	v24 =	vld [tilespmem:s30+$0xFD00];
	v16 =	vimm.f32 $0.0e+00;
	v9 =	vadd.f32 v11, v14;
	v10 =	vadd.f32 v18, v14  }
0xd1: {  	s17 =	sand.u32 $0x70, s25;
	s18 =	sand.u32 $0x7C00, s21;
	s26 =	simm.s32 $0x20;
	v25 =	vld [tilespmem:s30+$0xFD80];
	v11 =	vadd.f32 v15, v14;
	v18 =	vimm.f32 $0.0e+00;
	v15 =	vimm.f32 $0.0e+00  }
.LBB2_5:
0xd2: {  	p1 =	sne.s32 s26, $0x9F0;
	v28 =	vld [tilespmem:s25+$0x0];
	s28 =	sor.u32 s17, s18;
	v14 =	vadd.f32 v26, v14;
	v21 =	vmul.f32 v21, v4  }
0xd3: {  	v26 =	vld [tilespmem:s28+$0xFE00];
	v17 =	vadd.f32 v27, v17;
	v22 =	vmul.f32 v22, v4  }
0xd4: {  	v27 =	vld [tilespmem:s28+$0xAA80];
	v18 =	vadd.f32 v21, v18;
	v21 =	vmul.f32 v23, v4  }
0xd5: {  	v23 =	vld [tilespmem:s28+$0xAB00];
	v16 =	vadd.f32 v22, v16;
	v22 =	vmul.f32 v24, v4  }
0xd6: {  	v24 =	vld [tilespmem:s28+$0xAB80];
	v20 =	vadd.f32 v21, v20;
	v21 =	vmul.f32 v25, v4  }
0xd7: {  	v25 =	vld [tilespmem:s28+$0xAC00];
	v19 =	vadd.f32 v22, v19;
	v4 =	vmov v28  }
0xd8: {  	v22 =	vld [tilespmem:s28+$0xAC80];
	v26 =	vmul.f32 v26, v4;
	v15 =	vadd.f32 v21, v15  }
0xd9: {  	v21 =	vmul.f32 v27, v4;
	v27 =	vld [tilespmem:s28+$0xAD00]  }
0xda: {  	v23 =	vmul.f32 v23, v4;
	v28 =	vld [tilespmem:s28+$0xAD80];
	v5 =	vadd.f32 v26, v5  }
0xdb: {  	v6 =	vadd.f32 v21, v6;
	v21 =	vmul.f32 v24, v4;
	v24 =	vld [tilespmem:s28+$0xAE00]  }
0xdc: {  	v7 =	vadd.f32 v23, v7;
	v23 =	vmul.f32 v25, v4;
	v25 =	vld [tilespmem:s28+$0xFA80]  }
0xdd: {  	v12 =	vadd.f32 v21, v12;
	v22 =	vmul.f32 v22, v4;
	v29 =	vld [tilespmem:s28+$0xFB00]  }
.Ltmp1:
0xde: {  	v13 =	vadd.f32 v23, v13;
	v23 =	vmul.f32 v27, v4;
	v21 =	vld [tilespmem:s28+$0xFB80];
	(pc) =	sbr.rel @p1 .LBB2_5-.Ltmp1, $4  }
0xdf: {  	v8 =	vadd.f32 v22, v8;
	v26 =	vmul.f32 v28, v4;
	v22 =	vld [tilespmem:s28+$0xFC00]  }
0xe0: {  	v9 =	vadd.f32 v23, v9;
	v27 =	vmul.f32 v24, v4;
	v23 =	vld [tilespmem:s28+$0xFC80]  }
0xe1: {  	s21 =	sadd.s32 $0x80, s21;
	s25 =	sadd.s32 $0x10, s25;
	v10 =	vadd.f32 v26, v10;
	v26 =	vmul.f32 v25, v4;
	v24 =	vld [tilespmem:s28+$0xFD00]  }
0xe2: {  	s17 =	sand.u32 $0x70, s26;
	s26 =	sadd.s32 $0x10, s26;
	s18 =	sand.u32 $0x7C00, s21;
	v11 =	vadd.f32 v27, v11;
	v27 =	vmul.f32 v29, v4;
	v25 =	vld [tilespmem:s28+$0xFD80]  }
0xe3: {  	v28 =	vld [tilespmem:s25+$0x0];
	s11 =	sor.u32 s17, s18  }
0xe4: {  	v29 =	vld [tilespmem:s11+$0xFE00]  }
0xe5: {  	v30 =	vld [tilespmem:s11+$0xAA80]  }
0xe6: {  	v31 =	vld [tilespmem:s11+$0xAB00]  }
0xe7: {  	v32 =	vld [tilespmem:s11+$0xAB80]  }
0xe8: {  	v33 =	vld [tilespmem:s11+$0xAC00]  }
0xe9: {  	v34 =	vld [tilespmem:s11+$0xAC80]  }
0xea: {  	v35 =	vld [tilespmem:s11+$0xAD00]  }
0xeb: {  	v21 =	vmul.f32 v21, v4;
	v36 =	vld [tilespmem:s11+$0xAD80]  }
0xec: {  	v14 =	vadd.f32 v26, v14;
	v22 =	vmul.f32 v22, v4;
	v45 =	vld [tilespmem:s11+$0xAE00];
	v23 =	vmul.f32 v23, v4  }
0xed: {  	v17 =	vadd.f32 v27, v17;
	v47 =	vld [tilespmem:s11+$0xFA80];
	v46 =	vmul.f32 v24, v4;
	v4 =	vmul.f32 v25, v4  }
0xee: {  	v48 =	vld [tilespmem:s11+$0xFB00];
	v18 =	vadd.f32 v21, v18;
	v49 =	vmul.f32 v29, v28;
	v50 =	vmul.f32 v30, v28  }
0xef: {  	v51 =	vld [tilespmem:s11+$0xFB80];
	v16 =	vadd.f32 v22, v16;
	v52 =	vmul.f32 v31, v28;
	v53 =	vmul.f32 v32, v28  }
0xf0: {  	v54 =	vld [tilespmem:s11+$0xFC00];
	v20 =	vadd.f32 v23, v20;
	v55 =	vmul.f32 v33, v28;
	v57 =	vmul.f32 v34, v28  }
0xf1: {  	v56 =	vld [tilespmem:s11+$0xFC80];
	v19 =	vadd.f32 v46, v19;
	v59 =	vmul.f32 v35, v28;
	v60 =	vmul.f32 v36, v28  }
0xf2: {  	v58 =	vld [tilespmem:s11+$0xFD00];
	v4 =	vadd.f32 v4, v15;
	v62 =	vmul.f32 v45, v28;
	v24 =	vmul.f32 v47, v28  }
0xf3: {  	v61 =	vld [tilespmem:s11+$0xFD80];
	v63 =	vmul.f32 v48, v28;
	v5 =	vadd.f32 v49, v5;
	v6 =	vadd.f32 v50, v6  }
0xf4: {  	v26 =	vmul.f32 v51, v28;
	v7 =	vadd.f32 v52, v7;
	v12 =	vadd.f32 v53, v12  }
0xf5: {  	v29 =	vmul.f32 v54, v28;
	v13 =	vadd.f32 v55, v13;
	v8 =	vadd.f32 v57, v8  }
0xf6: {  	v30 =	vmul.f32 v56, v28;
	v9 =	vadd.f32 v59, v9;
	v10 =	vadd.f32 v60, v10  }
0xf7: {  	v32 =	vmul.f32 v58, v28;
	v11 =	vadd.f32 v62, v11;
	v14 =	vadd.f32 v24, v14  }
0xf8: {  	v33 =	vmul.f32 v61, v28;
	v17 =	vadd.f32 v63, v17;
	v15 =	vadd.f32 v26, v18  }
0xf9: {  	v16 =	vadd.f32 v29, v16;
	v34 =	vperm.xlane v6, v0;
	v35 =	vperm.xlane v14, v0  }
0xfa: {  	v20 =	vadd.f32 v30, v20;
	v36 =	vperm.xlane v7, v0;
	v37 =	vperm.xlane v17, v0  }
0xfb: {  	v18 =	vadd.f32 v32, v19;
	v38 =	vperm.xlane v12, v0;
	v39 =	vperm.xlane v15, v0  }
0xfc: {  	v4 =	vadd.f32 v33, v4;
	v41 =	vperm.xlane v13, v0;
	v42 =	vperm.xlane v16, v0  }
0xfd: {  	v43 =	vperm.xlane v8, v0;
	v44 =	vperm.xlane v20, v0;
	v6 =	vadd.f32 v34, v6  }
0xfe: {  	v46 =	vperm.xlane v9, v0;
	v14 =	vadd.f32 v35, v14;
	v7 =	vadd.f32 v36, v7  }
0xff: {  	v49 =	vperm.xlane v10, v0;
	v17 =	vadd.f32 v37, v17;
	v12 =	vadd.f32 v38, v12  }
0x100: {  	v50 =	vperm.xlane v4, v0;
	v40 =	vadd.f32 v39, v15;
	v13 =	vadd.f32 v41, v13  }
0x101: {  	v51 =	vperm.xlane v11, v0;
	v45 =	vadd.f32 v42, v16;
	v8 =	vadd.f32 v43, v8  }
0x102: {  	v52 =	vperm.xlane v5, v0;
	v47 =	vadd.f32 v44, v20;
	v9 =	vadd.f32 v46, v9  }
0x103: {  	v48 =	vperm.xlane v18, v0;
	v10 =	vadd.f32 v49, v10;
	v4 =	vadd.f32 v50, v4  }
0x104: {  	v11 =	vadd.f32 v51, v11;
	v5 =	vadd.f32 v52, v5;
	v6 =	vsel vm2, v6, v14  }
0x105: {  	v7 =	vsel vm2, v7, v17;
	v12 =	vsel vm2, v12, v40;
	v17 =	vadd.f32 v48, v18  }
0x106: {  	v13 =	vsel vm2, v13, v45;
	v8 =	vsel vm2, v8, v47;
	v53 =	vperm.xlane v6, v1  }
0x107: {  	v4 =	vsel vm2, v10, v4;
	v54 =	vperm.xlane v8, v1;
	v55 =	vperm.xlane v7, v1  }
0x108: {  	v5 =	vsel vm2, v11, v5;
	v57 =	vperm.xlane v12, v1;
	v58 =	vperm.xlane v4, v1  }
0x109: {  	v59 =	vperm.xlane v13, v1;
	v60 =	vperm.xlane v5, v1  }
0x10a: {  	v9 =	vsel vm2, v9, v17;
	v6 =	vadd.f32 v53, v6;
	v8 =	vadd.f32 v54, v8  }
0x10b: {  	v56 =	vperm.xlane v9, v1;
	v10 =	vadd.f32 v57, v12;
	v4 =	vadd.f32 v58, v4  }
0x10c: {  	v11 =	vadd.f32 v59, v13;
	v5 =	vadd.f32 v60, v5  }
0x10d: {  	v7 =	vadd.f32 v55, v7;
	v9 =	vadd.f32 v56, v9  }
0x10e: {  	v6 =	vsel vm0, v6, v8;
	v4 =	vsel vm0, v10, v4;
	v5 =	vsel vm0, v11, v5  }
0x10f: {  	v8 =	vperm.xlane v6, v2;
	v61 =	vperm.xlane v4, v2;
	v7 =	vsel vm0, v7, v9  }
0x110: {  	v11 =	vperm.xlane v5, v2;
	v62 =	vperm.xlane v7, v2  }
0x111: {  	v6 =	vadd.f32 v8, v6;
	v4 =	vadd.f32 v61, v4  }
0x112: {  	v5 =	vadd.f32 v11, v5;
	v7 =	vadd.f32 v62, v7;
	_ =	sdelay $0x1  }
0x113: {  	v4 =	vsel vm1, v6, v4;
	v5 =	vsel vm1, v7, v5  }
0x114: {  	v63 =	vld.msk [tilespmem:$0xA00 ss:$0x0], $0xffff;
	v6 =	vperm.xlane v4, v3;
	v7 =	vperm.xlane v5, v3;
	_ =	sdelay $0x1  }
0x115: {  	v4 =	vadd.f32 v6, v4;
	v5 =	vadd.f32 v7, v5;
	_ =	sdelay $0x1  }
0x116: {  	v4 =	vsel vm3, v4, v5  }
0x117: {  	v4 =	vadd.f32 v63, v4;
	_ =	sdelay $0x1  }
0x118: {  	v4 =	vsub.f32 $0.0e+00, v4;
	_ =	sdelay $0x1  }
0x119: {  	v4 =	vmul.f32 $1.442695020e+00, v4;
	_ =	sdelay $0x1  }
0x11a: {  	(erf) = vpow2.f32 v4;
	_ =	sdelay $0x8  }
0x11b: {  	v4 =	vpop (erf)  }
0x11c: {  	v4 =	vadd.f32 $1.000000000e+00, v4;
	_ =	sdelay $0x1  }
0x11d: {  	(erf) = vrcp.f32 v4;
	_ =	sdelay $0x5  }
.Ltmp2:
0x11e: {  	_ = 	snop;
	(pc) =	sbr.rel @p0 .LBB2_2-.Ltmp2, $3  }
0x11f: {  	_ =	sdelay $0x1  }
0x120: {  	s30 =	sand.u32 $0x3FFFFFF0, s23;
	v4 =	vpop (erf)  }
0x121: {  	s25 =	simm.s32 $0x1;
	p1 =	por $0x0, $0x0;
	[tilespmem:s30+$0x14A80] =	vst v4  }
0x122: {  	s11 =	rddreg [dreg:$0x9];
	s17 =	simm.s32 $0x14A80  }
0x123: {  	[hbm4b:s11+s9] =	stream.linear.scatter [tilespmem:s17], [sflag:$0x3], $0x40, $0x38;
	[tilespmem:$0x14B00] =	vst v63  }
0x124: {  	_ =	swait.ge [sflag:s19], $0x40  }
0x125: {  	s22 =	sadd.s32 $0x1, s22;
	s30 =	rddreg [dreg:$0xa]  }
0x126: {  	p0 =	sne.s32 s22, s30  }
.Ltmp3:
0x127: {  	_ = 	snop;
	(pc) =	sbr.rel @p0 .LBB2_1-.Ltmp3, $3  }
0x128: {  	_ =	sdelay $0x1  }
0x129: {  	[sflag:s19] =	ssyncset.done $0x0  }
0x12a: {  	[sflag:s19] =	ssyncadd.s32 $0xFFFFFFC0  }
0x12b: {  	_ =	sfence.sel $0x180000  }
0x12c: {  	[bflag:$0x0] =	sbarrier.arrive $0xFFFF  }
0x12d: {  	_ =	strace $0x90000047  }
0x12e: {  	s0 =	stileid.u32;
	[bflag:$0x2] =	sbarrier.arrive $0xFFFF  }
0x12f: {  	p0 =	sne.s32 s0, $0x0;
	s0 =	rddreg [dreg:$0x8]  }
0x130: {  	s0 =	sadd.s32 @!p0 $0x100000, s0  }
0x131: {  	[sflag:s0] =	ssyncadd.tile.s32 @!p0 $0x1;
	_ =	shalt  }
.Lfunc_end2:
_tile_overlayer_lowered:
.L_overlay_start_2:
0x132: {  	(tag) =	ssettag $0x2  }
0x133: {  	s0 =	rddreg [dreg:$0x0];
	s2 =	stileid.u32  }
0x134: {  	s1 =	rddreg [dreg:$0x1];
	p0 =	sne.s32 s2, $0x0  }
0x135: {  	s3 =	rddreg [dreg:$0x2];
	[bflag:$0x3] =	sbarrier.arrive $0xFFFF;
	s2 =	simm.s32 @!p0 $0x1C03  }
0x136: {  	[timem:s3], [sflag:s2] =	dma.local @!p0 [hbm:s0], s1  }
0x137: {  	s0 =	simm.s32 @!p0 $0x3  }
0x138: {  	_ =	swait.ge @!p0 [sflag:s0], s1  }
0x139: {  	s1 =	ssub.s32 @!p0 $0x0, s1;
	[sflag:s0] =	ssyncset.done @!p0 $0x0  }
0x13a: {  	[sflag:s0] =	ssyncadd.s32 @!p0 s1  }
0x13b: {  	[bflag:$0x3] =	sbarrier.arrive $0xFFFF  }
0x13c: {  	_ =	shalt  }

</sc_bundles>
